<compile_context>
chip_gen: v7x
topology: tpu7x:2x2x1
jax: 0.10.2.dev20260603
libtpu: 0.0.44.dev20260713+nightly
codegen_flags: <defaults>
</compile_context>

<pallas_src>
import dataclasses
import functools

import jax
import jax.numpy as jnp
from jax import lax
from jax.experimental import pallas as pl
from jax.experimental.pallas import tpu as pltpu
from jax.experimental.pallas import tpu_sc as plsc

_NUM_CORES = 2
_NUM_SUBCORES = 16
_NW = _NUM_CORES * _NUM_SUBCORES
_LANES = 16
_BLOCK = 128


@functools.lru_cache(maxsize=None)
def _build_sc_lerp_gather(t_total: int, nc: int, d: int):
    assert t_total % (_NW * _BLOCK) == 0
    rows_per_w = t_total // _NW
    nblk = rows_per_w // _BLOCK
    assert nblk % 2 == 0
    mesh = plsc.VectorSubcoreMesh(core_axis_name="c", subcore_axis_name="s")
    cparams = pltpu.CompilerParams()
    if "needs_layout_passes" in pltpu.CompilerParams.__dataclass_fields__:
        cparams = dataclasses.replace(cparams, needs_layout_passes=False)

    @functools.partial(
        pl.kernel,
        out_type=jax.ShapeDtypeStruct((t_total, d), jnp.float32),
        mesh=mesh,
        compiler_params=cparams,
        scratch_types=[
            pltpu.VMEM((rows_per_w,), jnp.float32),
            pltpu.VMEM((rows_per_w,), jnp.float32),
            pltpu.VMEM((_BLOCK,), jnp.int32),
            pltpu.VMEM((_BLOCK,), jnp.int32),
            pltpu.VMEM((_BLOCK,), jnp.int32),
            pltpu.VMEM((_BLOCK,), jnp.int32),
            pltpu.VMEM((_BLOCK, d), jnp.float32),
            pltpu.VMEM((_BLOCK, d), jnp.float32),
            pltpu.VMEM((_BLOCK, d), jnp.float32),
            pltpu.VMEM((_BLOCK, d), jnp.float32),
            pltpu.VMEM((_BLOCK, d), jnp.float32),
            pltpu.SemaphoreType.DMA,
            pltpu.SemaphoreType.DMA,
        ],
    )
    def sc_kernel(table_hbm, ts_hbm, out_hbm,
                  ts_v, frac_v, il0, ir0, il1, ir1,
                  l0, r0, l1, r1, out_v, sg0, sg1):
        il, ir, lv_, rv_ = (il0, il1), (ir0, ir1), (l0, l1), (r0, r1)
        sg = (sg0, sg1)
        wid = lax.axis_index("s") * _NUM_CORES + lax.axis_index("c")
        t0 = wid * rows_per_w
        pltpu.sync_copy(ts_hbm.at[pl.ds(t0, rows_per_w)], ts_v)

        def build_lists(b, slot):
            @pl.loop(0, _BLOCK, step=_LANES)
            def _(i):
                tv = ts_v[pl.ds(b * _BLOCK + i, _LANES)]
                idx = (tv * float(nc - 2)).astype(jnp.int32)
                frac_v[pl.ds(b * _BLOCK + i, _LANES)] = (
                    tv * float(nc - 1) - idx.astype(jnp.float32))
                il[slot][pl.ds(i, _LANES)] = idx
                ir[slot][pl.ds(i, _LANES)] = idx + 1

        def launch(slot):
            pltpu.async_copy(table_hbm.at[il[slot]], lv_[slot], sg[slot])
            pltpu.async_copy(table_hbm.at[ir[slot]], rv_[slot], sg[slot])

        def wait(slot):
            pltpu.make_async_copy(table_hbm.at[il[slot]], lv_[slot],
                                  sg[slot]).wait()
            pltpu.make_async_copy(table_hbm.at[ir[slot]], rv_[slot],
                                  sg[slot]).wait()

        def lerp_and_store(b, slot):
            @pl.loop(0, _BLOCK)
            def _(r):
                fv = plsc.load_gather(
                    frac_v, [jnp.full((_LANES,), b * _BLOCK + r, jnp.int32)])
                omf = 1.0 - fv
                for c in range(0, d, _LANES):
                    lo = lv_[slot][r, pl.ds(c, _LANES)]
                    hi = rv_[slot][r, pl.ds(c, _LANES)]
                    out_v[r, pl.ds(c, _LANES)] = omf * lo + fv * hi

            pltpu.sync_copy(
                out_v, out_hbm.at[pl.ds(t0 + b * _BLOCK, _BLOCK)])

        build_lists(0, 0)
        launch(0)

        @pl.loop(0, nblk, step=2)
        def _(b):
            for off, slot in ((0, 0), (1, 1)):
                bb = b + off

                @pl.when(bb + 1 < nblk)
                def _():
                    build_lists(bb + 1, 1 - slot)
                    launch(1 - slot)

                wait(slot)
                lerp_and_store(bb, slot)

    return sc_kernel


def kernel(timestamps, control_points):
    n_start, nc, two = control_points.shape
    t_total = timestamps.shape[0]
    d = n_start * two
    table = control_points.transpose(1, 0, 2).reshape(nc, d)
    sc_kernel = _build_sc_lerp_gather(t_total, nc, d)
    out_rows = sc_kernel(table, timestamps)
    return out_rows.reshape(t_total, n_start, two).transpose(1, 0, 2)

# --- scband reference (transcript-rebuilt; emitter-appended) ---
"""Pipeline reference for scband-polygonal-curve-module-19524921327896 (READ-ONLY COPY).

The authoritative reference and input builder live on the scoring server;
editing this copy changes nothing except your own understanding.
"""

import jax, jax.numpy as jnp
import numpy as np

NC = 100000
N_START = 64
T = 16384

def setup_inputs(seed: int = 0) -> dict:
    key = jax.random.key(seed)
    k1, k2 = jax.random.split(key)
    # forward arg: timestamps in [0, 1)
    timestamps = jax.random.uniform(k1, (T,), dtype=jnp.float32)
    # learned parameter: control_points per __init__ (torch.randn([n_start, nc, 2]))
    control_points = jax.random.normal(k2, (N_START, NC, 2), dtype=jnp.float32)
    return {"timestamps": timestamps, "control_points": control_points}

def reference(timestamps, control_points):
    # Faithful translation of PolygonalCurveModule.forward (piecewise-linear eval):
    # indices = floor(t * (nc - 2)); weights use (nc - 1) exactly as in the torch code.
    nc = control_points.shape[1]
    indices = jnp.floor(timestamps * (nc - 2)).astype(jnp.int32)
    frac = timestamps * (nc - 1) - indices.astype(jnp.float32)
    left = jnp.take(control_points, indices, axis=1)          # [n_start, T, 2] gather
    right = jnp.squeeze(jnp.take(control_points, indices + 1, axis=1))  # .squeeze() is no-op here
    out = (1.0 - frac)[:, None] * left + frac[:, None] * right
    return out

if __name__ == "__main__":
    import jax
    _d = setup_inputs()
    print(jax.jit(kernel)(*tuple(_d.values())))

</pallas_src>

<mosaic_0001>
#map = affine_map<(d0, d1) -> (0, 0)>
#map1 = affine_map<(d0, d1) -> (0)>
module attributes {stable_mosaic.version = 14 : i64} {
  func.func @sc_kernel(%arg0: i32, %arg1: i32, %arg2: memref<100000x128xf32, #tpu.memory_space<hbm>>, %arg3: memref<16384xf32, #tpu.memory_space<hbm>>, %arg4: memref<16384x128xf32, #tpu.memory_space<hbm>>, %arg5: memref<512xf32, #tpu.memory_space<vmem>>, %arg6: memref<512xf32, #tpu.memory_space<vmem>>, %arg7: memref<128xi32, #tpu.memory_space<vmem>>, %arg8: memref<128xi32, #tpu.memory_space<vmem>>, %arg9: memref<128xi32, #tpu.memory_space<vmem>>, %arg10: memref<128xi32, #tpu.memory_space<vmem>>, %arg11: memref<128x128xf32, #tpu.memory_space<vmem>>, %arg12: memref<128x128xf32, #tpu.memory_space<vmem>>, %arg13: memref<128x128xf32, #tpu.memory_space<vmem>>, %arg14: memref<128x128xf32, #tpu.memory_space<vmem>>, %arg15: memref<128x128xf32, #tpu.memory_space<vmem>>, %arg16: memref<!tpu.dma_semaphore, #tpu.memory_space<semaphore_mem>>, %arg17: memref<!tpu.dma_semaphore, #tpu.memory_space<semaphore_mem>>) attributes {dimension_semantics = [#tpu.dimension_semantics<core_parallel>, #tpu.dimension_semantics<subcore_parallel>], iteration_bounds = array<i64: 2, 16>, scalar_prefetch = 0 : i64, scratch_operands = 13 : i64, tpu.core_type = #tpu.core_type<sc_vector_subcore>, window_params = [{transform_indices = #map}, {transform_indices = #map1}, {transform_indices = #map}]} {
    %mul3A = arith.constant 2 : i32
    %mul3A_0 = arith.muli %arg1, %mul3A : i32
    %add3A = arith.addi %mul3A_0, %arg0 : i32
    %mul3A_1 = arith.constant 512 : i32
    %mul3A_2 = arith.muli %add3A, %mul3A_1 : i32
    "tpu.region"() ({
      %run_scoped3A = tpu.sem_alloc : memref<!tpu.dma_semaphore, #tpu.memory_space<semaphore_mem>>
      %dma_start3A_17 = tpu.memref_slice %arg3[%mul3A_2] : memref<16384xf32, #tpu.memory_space<hbm>> -> memref<512xf32, #tpu.memory_space<hbm>>
      %dma_start3A_18 = tpu.memref_slice %arg3[%mul3A_2] : memref<16384xf32, #tpu.memory_space<hbm>> -> memref<512xf32, #tpu.memory_space<hbm>>
      tpu.enqueue_dma source(%dma_start3A_18 : memref<512xf32, #tpu.memory_space<hbm>>) target(%arg5 : memref<512xf32, #tpu.memory_space<vmem>>) target_semaphore(%run_scoped3A : memref<!tpu.dma_semaphore, #tpu.memory_space<semaphore_mem>>)
      %dma_wait3A = tpu.memref_slice %arg3[%mul3A_2] : memref<16384xf32, #tpu.memory_space<hbm>> -> memref<512xf32, #tpu.memory_space<hbm>>
      %dma_wait3A_19 = tpu.memref_slice %arg3[%mul3A_2] : memref<16384xf32, #tpu.memory_space<hbm>> -> memref<512xf32, #tpu.memory_space<hbm>>
      tpu.wait_dma2 semaphore(%run_scoped3A : memref<!tpu.dma_semaphore, #tpu.memory_space<semaphore_mem>>) src(%dma_wait3A_19 : memref<512xf32, #tpu.memory_space<hbm>>) dst(%arg5 : memref<512xf32, #tpu.memory_space<vmem>>)
      tpu.yield
    }) : () -> ()
    %scan3A = arith.constant 0 : i32
    %scan3A_3 = arith.constant 8 : i32
    %scan3A_4 = arith.addi %scan3A, %scan3A_3 : i32
    %scan3A_5 = arith.constant 1 : i32
    scf.for %scan3A_17 = %scan3A to %scan3A_4 step %scan3A_5  : i32 {
      %mul3A_18 = arith.constant 16 : i32
      %mul3A_19 = arith.muli %scan3A_17, %mul3A_18 : i32
      %add3A_20 = arith.constant 0 : i32
      %add3A_21 = arith.addi %add3A_20, %mul3A_19 : i32
      %add3A_22 = arith.constant 0 : i32
      %add3A_23 = arith.addi %add3A_22, %add3A_21 : i32
      %get3A = arith.index_cast %add3A_23 : i32 to index
      %get3A_24 = tpu.vector_load %arg5[%get3A] {strides = array<i32>} : memref<512xf32, #tpu.memory_space<vmem>>, vector<16xf32>,
      %mul3A_25 = arith.constant 9.999800e+04 : f32
      %mul3A_26 = vector.broadcast %mul3A_25 : f32 to vector<16xf32>
      %mul3A_27 = arith.mulf %get3A_24, %mul3A_26 : vector<16xf32>
      %convert_element_type3A = arith.fptosi %mul3A_27 : vector<16xf32> to vector<16xi32>
      %mul3A_28 = arith.constant 9.999900e+04 : f32
      %mul3A_29 = vector.broadcast %mul3A_28 : f32 to vector<16xf32>
      %mul3A_30 = arith.mulf %get3A_24, %mul3A_29 : vector<16xf32>
      %convert_element_type3A_31 = arith.sitofp %convert_element_type3A : vector<16xi32> to vector<16xf32>
      %sub3A = arith.subf %mul3A_30, %convert_element_type3A_31 : vector<16xf32>
      %add3A_32 = arith.constant 0 : i32
      %add3A_33 = arith.addi %add3A_32, %add3A_21 : i32
      %swap3A = arith.index_cast %add3A_33 : i32 to index
      %swap3A_34 = tpu.vector_load %arg6[%swap3A] {strides = array<i32>} : memref<512xf32, #tpu.memory_space<vmem>>, vector<16xf32>,
      tpu.vector_store %arg6[%swap3A], %sub3A {strides = array<i32>} : memref<512xf32, #tpu.memory_space<vmem>>, vector<16xf32>,
      %swap3A_35 = arith.index_cast %add3A_21 : i32 to index
      %swap3A_36 = tpu.vector_load %arg7[%swap3A_35] {strides = array<i32>} : memref<128xi32, #tpu.memory_space<vmem>>, vector<16xi32>,
      tpu.vector_store %arg7[%swap3A_35], %convert_element_type3A {strides = array<i32>} : memref<128xi32, #tpu.memory_space<vmem>>, vector<16xi32>,
      %add3A_37 = arith.constant 1 : i32
      %add3A_38 = vector.broadcast %add3A_37 : i32 to vector<16xi32>
      %add3A_39 = arith.addi %convert_element_type3A, %add3A_38 : vector<16xi32>
      %swap3A_40 = arith.index_cast %add3A_21 : i32 to index
      %swap3A_41 = tpu.vector_load %arg8[%swap3A_40] {strides = array<i32>} : memref<128xi32, #tpu.memory_space<vmem>>, vector<16xi32>,
      tpu.vector_store %arg8[%swap3A_40], %add3A_39 {strides = array<i32>} : memref<128xi32, #tpu.memory_space<vmem>>, vector<16xi32>,
    }
    %scan3A_6 = arith.constant 8 : i32
    %dma_start3A = arith.constant 0 : i32
    %dma_start3A_7 = arith.constant 0 : i32
    %dma_start3A_8 = tpu.memref_slice %arg2[%dma_start3A, %dma_start3A_7] : memref<100000x128xf32, #tpu.memory_space<hbm>> -> memref<100000x128xf32, #tpu.memory_space<hbm>>
    tpu.enqueue_indirect_dma source(%dma_start3A_8 : memref<100000x128xf32, #tpu.memory_space<hbm>>) target(%arg11 : memref<128x128xf32, #tpu.memory_space<vmem>>) offsets(%arg7 : memref<128xi32, #tpu.memory_space<vmem>>) semaphore(%arg16 : memref<!tpu.dma_semaphore, #tpu.memory_space<semaphore_mem>>)
    %dma_start3A_9 = arith.constant 0 : i32
    %dma_start3A_10 = arith.constant 0 : i32
    %dma_start3A_11 = tpu.memref_slice %arg2[%dma_start3A_9, %dma_start3A_10] : memref<100000x128xf32, #tpu.memory_space<hbm>> -> memref<100000x128xf32, #tpu.memory_space<hbm>>
    tpu.enqueue_indirect_dma source(%dma_start3A_11 : memref<100000x128xf32, #tpu.memory_space<hbm>>) target(%arg12 : memref<128x128xf32, #tpu.memory_space<vmem>>) offsets(%arg8 : memref<128xi32, #tpu.memory_space<vmem>>) semaphore(%arg16 : memref<!tpu.dma_semaphore, #tpu.memory_space<semaphore_mem>>)
    %scan3A_12 = arith.constant 0 : i32
    %scan3A_13 = arith.constant 2 : i32
    %scan3A_14 = arith.addi %scan3A_12, %scan3A_13 : i32
    %scan3A_15 = arith.constant 1 : i32
    scf.for %scan3A_17 = %scan3A_12 to %scan3A_14 step %scan3A_15  : i32 {
      %mul3A_18 = arith.constant 2 : i32
      %mul3A_19 = arith.muli %scan3A_17, %mul3A_18 : i32
      %add3A_20 = arith.constant 0 : i32
      %add3A_21 = arith.addi %add3A_20, %mul3A_19 : i32
      %add3A_22 = arith.constant 0 : i32
      %add3A_23 = arith.addi %add3A_21, %add3A_22 : i32
      %add3A_24 = arith.constant 1 : i32
      %add3A_25 = arith.addi %add3A_23, %add3A_24 : i32
      %lt3A = arith.constant 4 : i32
      %lt3A_26 = arith.cmpi slt, %add3A_25, %lt3A : i32
      %convert_element_type3A = arith.extui %lt3A_26 : i1 to i32
      %cond3A = arith.constant 0 : i32
      %cond3A_27 = arith.cmpi ne, %convert_element_type3A, %cond3A : i32
      scf.if %cond3A_27 {
        %add3A_64 = arith.constant 1 : i32
        %add3A_65 = arith.addi %add3A_23, %add3A_64 : i32
        %scan3A_66 = arith.constant 0 : i32
        %scan3A_67 = arith.constant 8 : i32
        %scan3A_68 = arith.addi %scan3A_66, %scan3A_67 : i32
        %scan3A_69 = arith.constant 1 : i32
        scf.for %scan3A_77 = %scan3A_66 to %scan3A_68 step %scan3A_69  : i32 {
          %mul3A_78 = arith.constant 16 : i32
          %mul3A_79 = arith.muli %scan3A_77, %mul3A_78 : i32
          %add3A_80 = arith.constant 0 : i32
          %add3A_81 = arith.addi %add3A_80, %mul3A_79 : i32
          %mul3A_82 = arith.constant 128 : i32
          %mul3A_83 = arith.muli %add3A_65, %mul3A_82 : i32
          %add3A_84 = arith.addi %mul3A_83, %add3A_81 : i32
          %get3A = arith.index_cast %add3A_84 : i32 to index
          %get3A_85 = tpu.vector_load %arg5[%get3A] {strides = array<i32>} : memref<512xf32, #tpu.memory_space<vmem>>, vector<16xf32>,
          %mul3A_86 = arith.constant 9.999800e+04 : f32
          %mul3A_87 = vector.broadcast %mul3A_86 : f32 to vector<16xf32>
          %mul3A_88 = arith.mulf %get3A_85, %mul3A_87 : vector<16xf32>
          %convert_element_type3A_89 = arith.fptosi %mul3A_88 : vector<16xf32> to vector<16xi32>
          %mul3A_90 = arith.constant 9.999900e+04 : f32
          %mul3A_91 = vector.broadcast %mul3A_90 : f32 to vector<16xf32>
          %mul3A_92 = arith.mulf %get3A_85, %mul3A_91 : vector<16xf32>
          %convert_element_type3A_93 = arith.sitofp %convert_element_type3A_89 : vector<16xi32> to vector<16xf32>
          %sub3A = arith.subf %mul3A_92, %convert_element_type3A_93 : vector<16xf32>
          %mul3A_94 = arith.constant 128 : i32
          %mul3A_95 = arith.muli %add3A_65, %mul3A_94 : i32
          %add3A_96 = arith.addi %mul3A_95, %add3A_81 : i32
          %swap3A = arith.index_cast %add3A_96 : i32 to index
          %swap3A_97 = tpu.vector_load %arg6[%swap3A] {strides = array<i32>} : memref<512xf32, #tpu.memory_space<vmem>>, vector<16xf32>,
          tpu.vector_store %arg6[%swap3A], %sub3A {strides = array<i32>} : memref<512xf32, #tpu.memory_space<vmem>>, vector<16xf32>,
          %swap3A_98 = arith.index_cast %add3A_81 : i32 to index
          %swap3A_99 = tpu.vector_load %arg9[%swap3A_98] {strides = array<i32>} : memref<128xi32, #tpu.memory_space<vmem>>, vector<16xi32>,
          tpu.vector_store %arg9[%swap3A_98], %convert_element_type3A_89 {strides = array<i32>} : memref<128xi32, #tpu.memory_space<vmem>>, vector<16xi32>,
          %add3A_100 = arith.constant 1 : i32
          %add3A_101 = vector.broadcast %add3A_100 : i32 to vector<16xi32>
          %add3A_102 = arith.addi %convert_element_type3A_89, %add3A_101 : vector<16xi32>
          %swap3A_103 = arith.index_cast %add3A_81 : i32 to index
          %swap3A_104 = tpu.vector_load %arg10[%swap3A_103] {strides = array<i32>} : memref<128xi32, #tpu.memory_space<vmem>>, vector<16xi32>,
          tpu.vector_store %arg10[%swap3A_103], %add3A_102 {strides = array<i32>} : memref<128xi32, #tpu.memory_space<vmem>>, vector<16xi32>,
        }
        %scan3A_70 = arith.constant 8 : i32
        %dma_start3A_71 = arith.constant 0 : i32
        %dma_start3A_72 = arith.constant 0 : i32
        %dma_start3A_73 = tpu.memref_slice %arg2[%dma_start3A_71, %dma_start3A_72] : memref<100000x128xf32, #tpu.memory_space<hbm>> -> memref<100000x128xf32, #tpu.memory_space<hbm>>
        tpu.enqueue_indirect_dma source(%dma_start3A_73 : memref<100000x128xf32, #tpu.memory_space<hbm>>) target(%arg13 : memref<128x128xf32, #tpu.memory_space<vmem>>) offsets(%arg9 : memref<128xi32, #tpu.memory_space<vmem>>) semaphore(%arg17 : memref<!tpu.dma_semaphore, #tpu.memory_space<semaphore_mem>>)
        %dma_start3A_74 = arith.constant 0 : i32
        %dma_start3A_75 = arith.constant 0 : i32
        %dma_start3A_76 = tpu.memref_slice %arg2[%dma_start3A_74, %dma_start3A_75] : memref<100000x128xf32, #tpu.memory_space<hbm>> -> memref<100000x128xf32, #tpu.memory_space<hbm>>
        tpu.enqueue_indirect_dma source(%dma_start3A_76 : memref<100000x128xf32, #tpu.memory_space<hbm>>) target(%arg14 : memref<128x128xf32, #tpu.memory_space<vmem>>) offsets(%arg10 : memref<128xi32, #tpu.memory_space<vmem>>) semaphore(%arg17 : memref<!tpu.dma_semaphore, #tpu.memory_space<semaphore_mem>>)
      } else {
      }
      %dma_wait3A = arith.constant 0 : i32
      %dma_wait3A_28 = arith.constant 0 : i32
      %dma_wait3A_29 = tpu.memref_slice %arg2[%dma_wait3A, %dma_wait3A_28] : memref<100000x128xf32, #tpu.memory_space<hbm>> -> memref<100000x128xf32, #tpu.memory_space<hbm>>
      tpu.wait_indirect_dma semaphore(%arg16 : memref<!tpu.dma_semaphore, #tpu.memory_space<semaphore_mem>>) src(%dma_wait3A_29 : memref<100000x128xf32, #tpu.memory_space<hbm>>) dst(%arg11 : memref<128x128xf32, #tpu.memory_space<vmem>>)
      %dma_wait3A_30 = arith.constant 0 : i32
      %dma_wait3A_31 = arith.constant 0 : i32
      %dma_wait3A_32 = tpu.memref_slice %arg2[%dma_wait3A_30, %dma_wait3A_31] : memref<100000x128xf32, #tpu.memory_space<hbm>> -> memref<100000x128xf32, #tpu.memory_space<hbm>>
      tpu.wait_indirect_dma semaphore(%arg16 : memref<!tpu.dma_semaphore, #tpu.memory_space<semaphore_mem>>) src(%dma_wait3A_32 : memref<100000x128xf32, #tpu.memory_space<hbm>>) dst(%arg12 : memref<128x128xf32, #tpu.memory_space<vmem>>)
      %scan3A_33 = arith.constant 0 : i32
      %scan3A_34 = arith.constant 128 : i32
      %scan3A_35 = arith.addi %scan3A_33, %scan3A_34 : i32
      %scan3A_36 = arith.constant 1 : i32
      scf.for %scan3A_64 = %scan3A_33 to %scan3A_35 step %scan3A_36  : i32 {
        %mul3A_65 = arith.constant 1 : i32
        %mul3A_66 = arith.muli %scan3A_64, %mul3A_65 : i32
        %add3A_67 = arith.constant 0 : i32
        %add3A_68 = arith.addi %add3A_67, %mul3A_66 : i32
        %mul3A_69 = arith.constant 128 : i32
        %mul3A_70 = arith.muli %add3A_23, %mul3A_69 : i32
        %add3A_71 = arith.addi %mul3A_70, %add3A_68 : i32
        %broadcast_in_dim3A = vector.broadcast %add3A_71 : i32 to vector<16xi32>
        %gather3A = tpu.vector_load_idx %arg6[%broadcast_in_dim3A] : memref<512xf32, #tpu.memory_space<vmem>>[vector<16xi32>], vector<16xf32>,
        %sub3A = arith.constant 1.000000e+00 : f32
        %sub3A_72 = vector.broadcast %sub3A : f32 to vector<16xf32>
        %sub3A_73 = arith.subf %sub3A_72, %gather3A : vector<16xf32>
        %get3A = arith.index_cast %add3A_68 : i32 to index
        %get3A_74 = arith.constant 0 : index
        %get3A_75 = tpu.vector_load %arg11[%get3A, %get3A_74] {strides = array<i32>} : memref<128x128xf32, #tpu.memory_space<vmem>>, vector<16xf32>,
        %get3A_76 = arith.index_cast %add3A_68 : i32 to index
        %get3A_77 = arith.constant 0 : index
        %get3A_78 = tpu.vector_load %arg12[%get3A_76, %get3A_77] {strides = array<i32>} : memref<128x128xf32, #tpu.memory_space<vmem>>, vector<16xf32>,
        %mul3A_79 = arith.mulf %sub3A_73, %get3A_75 : vector<16xf32>
        %mul3A_80 = arith.mulf %gather3A, %get3A_78 : vector<16xf32>
        %add3A_81 = arith.addf %mul3A_79, %mul3A_80 : vector<16xf32>
        %swap3A = arith.index_cast %add3A_68 : i32 to index
        %swap3A_82 = arith.constant 0 : index
        %swap3A_83 = tpu.vector_load %arg15[%swap3A, %swap3A_82] {strides = array<i32>} : memref<128x128xf32, #tpu.memory_space<vmem>>, vector<16xf32>,
        tpu.vector_store %arg15[%swap3A, %swap3A_82], %add3A_81 {strides = array<i32>} : memref<128x128xf32, #tpu.memory_space<vmem>>, vector<16xf32>,
        %get3A_84 = arith.index_cast %add3A_68 : i32 to index
        %get3A_85 = arith.constant 16 : index
        %get3A_86 = tpu.vector_load %arg11[%get3A_84, %get3A_85] {strides = array<i32>} : memref<128x128xf32, #tpu.memory_space<vmem>>, vector<16xf32>,
        %get3A_87 = arith.index_cast %add3A_68 : i32 to index
        %get3A_88 = arith.constant 16 : index
        %get3A_89 = tpu.vector_load %arg12[%get3A_87, %get3A_88] {strides = array<i32>} : memref<128x128xf32, #tpu.memory_space<vmem>>, vector<16xf32>,
        %mul3A_90 = arith.mulf %sub3A_73, %get3A_86 : vector<16xf32>
        %mul3A_91 = arith.mulf %gather3A, %get3A_89 : vector<16xf32>
        %add3A_92 = arith.addf %mul3A_90, %mul3A_91 : vector<16xf32>
        %swap3A_93 = arith.index_cast %add3A_68 : i32 to index
        %swap3A_94 = arith.constant 16 : index
        %swap3A_95 = tpu.vector_load %arg15[%swap3A_93, %swap3A_94] {strides = array<i32>} : memref<128x128xf32, #tpu.memory_space<vmem>>, vector<16xf32>,
        tpu.vector_store %arg15[%swap3A_93, %swap3A_94], %add3A_92 {strides = array<i32>} : memref<128x128xf32, #tpu.memory_space<vmem>>, vector<16xf32>,
        %get3A_96 = arith.index_cast %add3A_68 : i32 to index
        %get3A_97 = arith.constant 32 : index
        %get3A_98 = tpu.vector_load %arg11[%get3A_96, %get3A_97] {strides = array<i32>} : memref<128x128xf32, #tpu.memory_space<vmem>>, vector<16xf32>,
        %get3A_99 = arith.index_cast %add3A_68 : i32 to index
        %get3A_100 = arith.constant 32 : index
        %get3A_101 = tpu.vector_load %arg12[%get3A_99, %get3A_100] {strides = array<i32>} : memref<128x128xf32, #tpu.memory_space<vmem>>, vector<16xf32>,
        %mul3A_102 = arith.mulf %sub3A_73, %get3A_98 : vector<16xf32>
        %mul3A_103 = arith.mulf %gather3A, %get3A_101 : vector<16xf32>
        %add3A_104 = arith.addf %mul3A_102, %mul3A_103 : vector<16xf32>
        %swap3A_105 = arith.index_cast %add3A_68 : i32 to index
        %swap3A_106 = arith.constant 32 : index
        %swap3A_107 = tpu.vector_load %arg15[%swap3A_105, %swap3A_106] {strides = array<i32>} : memref<128x128xf32, #tpu.memory_space<vmem>>, vector<16xf32>,
        tpu.vector_store %arg15[%swap3A_105, %swap3A_106], %add3A_104 {strides = array<i32>} : memref<128x128xf32, #tpu.memory_space<vmem>>, vector<16xf32>,
        %get3A_108 = arith.index_cast %add3A_68 : i32 to index
        %get3A_109 = arith.constant 48 : index
        %get3A_110 = tpu.vector_load %arg11[%get3A_108, %get3A_109] {strides = array<i32>} : memref<128x128xf32, #tpu.memory_space<vmem>>, vector<16xf32>,
        %get3A_111 = arith.index_cast %add3A_68 : i32 to index
        %get3A_112 = arith.constant 48 : index
        %get3A_113 = tpu.vector_load %arg12[%get3A_111, %get3A_112] {strides = array<i32>} : memref<128x128xf32, #tpu.memory_space<vmem>>, vector<16xf32>,
        %mul3A_114 = arith.mulf %sub3A_73, %get3A_110 : vector<16xf32>
        %mul3A_115 = arith.mulf %gather3A, %get3A_113 : vector<16xf32>
        %add3A_116 = arith.addf %mul3A_114, %mul3A_115 : vector<16xf32>
        %swap3A_117 = arith.index_cast %add3A_68 : i32 to index
        %swap3A_118 = arith.constant 48 : index
        %swap3A_119 = tpu.vector_load %arg15[%swap3A_117, %swap3A_118] {strides = array<i32>} : memref<128x128xf32, #tpu.memory_space<vmem>>, vector<16xf32>,
        tpu.vector_store %arg15[%swap3A_117, %swap3A_118], %add3A_116 {strides = array<i32>} : memref<128x128xf32, #tpu.memory_space<vmem>>, vector<16xf32>,
        %get3A_120 = arith.index_cast %add3A_68 : i32 to index
        %get3A_121 = arith.constant 64 : index
        %get3A_122 = tpu.vector_load %arg11[%get3A_120, %get3A_121] {strides = array<i32>} : memref<128x128xf32, #tpu.memory_space<vmem>>, vector<16xf32>,
        %get3A_123 = arith.index_cast %add3A_68 : i32 to index
        %get3A_124 = arith.constant 64 : index
        %get3A_125 = tpu.vector_load %arg12[%get3A_123, %get3A_124] {strides = array<i32>} : memref<128x128xf32, #tpu.memory_space<vmem>>, vector<16xf32>,
        %mul3A_126 = arith.mulf %sub3A_73, %get3A_122 : vector<16xf32>
        %mul3A_127 = arith.mulf %gather3A, %get3A_125 : vector<16xf32>
        %add3A_128 = arith.addf %mul3A_126, %mul3A_127 : vector<16xf32>
        %swap3A_129 = arith.index_cast %add3A_68 : i32 to index
        %swap3A_130 = arith.constant 64 : index
        %swap3A_131 = tpu.vector_load %arg15[%swap3A_129, %swap3A_130] {strides = array<i32>} : memref<128x128xf32, #tpu.memory_space<vmem>>, vector<16xf32>,
        tpu.vector_store %arg15[%swap3A_129, %swap3A_130], %add3A_128 {strides = array<i32>} : memref<128x128xf32, #tpu.memory_space<vmem>>, vector<16xf32>,
        %get3A_132 = arith.index_cast %add3A_68 : i32 to index
        %get3A_133 = arith.constant 80 : index
        %get3A_134 = tpu.vector_load %arg11[%get3A_132, %get3A_133] {strides = array<i32>} : memref<128x128xf32, #tpu.memory_space<vmem>>, vector<16xf32>,
        %get3A_135 = arith.index_cast %add3A_68 : i32 to index
        %get3A_136 = arith.constant 80 : index
        %get3A_137 = tpu.vector_load %arg12[%get3A_135, %get3A_136] {strides = array<i32>} : memref<128x128xf32, #tpu.memory_space<vmem>>, vector<16xf32>,
        %mul3A_138 = arith.mulf %sub3A_73, %get3A_134 : vector<16xf32>
        %mul3A_139 = arith.mulf %gather3A, %get3A_137 : vector<16xf32>
        %add3A_140 = arith.addf %mul3A_138, %mul3A_139 : vector<16xf32>
        %swap3A_141 = arith.index_cast %add3A_68 : i32 to index
        %swap3A_142 = arith.constant 80 : index
        %swap3A_143 = tpu.vector_load %arg15[%swap3A_141, %swap3A_142] {strides = array<i32>} : memref<128x128xf32, #tpu.memory_space<vmem>>, vector<16xf32>,
        tpu.vector_store %arg15[%swap3A_141, %swap3A_142], %add3A_140 {strides = array<i32>} : memref<128x128xf32, #tpu.memory_space<vmem>>, vector<16xf32>,
        %get3A_144 = arith.index_cast %add3A_68 : i32 to index
        %get3A_145 = arith.constant 96 : index
        %get3A_146 = tpu.vector_load %arg11[%get3A_144, %get3A_145] {strides = array<i32>} : memref<128x128xf32, #tpu.memory_space<vmem>>, vector<16xf32>,
        %get3A_147 = arith.index_cast %add3A_68 : i32 to index
        %get3A_148 = arith.constant 96 : index
        %get3A_149 = tpu.vector_load %arg12[%get3A_147, %get3A_148] {strides = array<i32>} : memref<128x128xf32, #tpu.memory_space<vmem>>, vector<16xf32>,
        %mul3A_150 = arith.mulf %sub3A_73, %get3A_146 : vector<16xf32>
        %mul3A_151 = arith.mulf %gather3A, %get3A_149 : vector<16xf32>
        %add3A_152 = arith.addf %mul3A_150, %mul3A_151 : vector<16xf32>
        %swap3A_153 = arith.index_cast %add3A_68 : i32 to index
        %swap3A_154 = arith.constant 96 : index
        %swap3A_155 = tpu.vector_load %arg15[%swap3A_153, %swap3A_154] {strides = array<i32>} : memref<128x128xf32, #tpu.memory_space<vmem>>, vector<16xf32>,
        tpu.vector_store %arg15[%swap3A_153, %swap3A_154], %add3A_152 {strides = array<i32>} : memref<128x128xf32, #tpu.memory_space<vmem>>, vector<16xf32>,
        %get3A_156 = arith.index_cast %add3A_68 : i32 to index
        %get3A_157 = arith.constant 112 : index
        %get3A_158 = tpu.vector_load %arg11[%get3A_156, %get3A_157] {strides = array<i32>} : memref<128x128xf32, #tpu.memory_space<vmem>>, vector<16xf32>,
        %get3A_159 = arith.index_cast %add3A_68 : i32 to index
        %get3A_160 = arith.constant 112 : index
        %get3A_161 = tpu.vector_load %arg12[%get3A_159, %get3A_160] {strides = array<i32>} : memref<128x128xf32, #tpu.memory_space<vmem>>, vector<16xf32>,
        %mul3A_162 = arith.mulf %sub3A_73, %get3A_158 : vector<16xf32>
        %mul3A_163 = arith.mulf %gather3A, %get3A_161 : vector<16xf32>
        %add3A_164 = arith.addf %mul3A_162, %mul3A_163 : vector<16xf32>
        %swap3A_165 = arith.index_cast %add3A_68 : i32 to index
        %swap3A_166 = arith.constant 112 : index
        %swap3A_167 = tpu.vector_load %arg15[%swap3A_165, %swap3A_166] {strides = array<i32>} : memref<128x128xf32, #tpu.memory_space<vmem>>, vector<16xf32>,
        tpu.vector_store %arg15[%swap3A_165, %swap3A_166], %add3A_164 {strides = array<i32>} : memref<128x128xf32, #tpu.memory_space<vmem>>, vector<16xf32>,
      }
      %scan3A_37 = arith.constant 128 : i32
      %mul3A_38 = arith.constant 128 : i32
      %mul3A_39 = arith.muli %add3A_23, %mul3A_38 : i32
      %add3A_40 = arith.addi %mul3A_2, %mul3A_39 : i32
      "tpu.region"() ({
        %run_scoped3A = tpu.sem_alloc : memref<!tpu.dma_semaphore, #tpu.memory_space<semaphore_mem>>
        %dma_start3A_64 = arith.constant 0 : i32
        %dma_start3A_65 = tpu.memref_slice %arg4[%add3A_40, %dma_start3A_64] : memref<16384x128xf32, #tpu.memory_space<hbm>> -> memref<128x128xf32, #tpu.memory_space<hbm>>
        %dma_start3A_66 = arith.constant 0 : i32
        %dma_start3A_67 = tpu.memref_slice %arg4[%add3A_40, %dma_start3A_66] : memref<16384x128xf32, #tpu.memory_space<hbm>> -> memref<128x128xf32, #tpu.memory_space<hbm>>
        tpu.enqueue_dma source(%arg15 : memref<128x128xf32, #tpu.memory_space<vmem>>) target(%dma_start3A_67 : memref<128x128xf32, #tpu.memory_space<hbm>>) target_semaphore(%run_scoped3A : memref<!tpu.dma_semaphore, #tpu.memory_space<semaphore_mem>>)
        %dma_wait3A_68 = arith.constant 0 : i32
        %dma_wait3A_69 = tpu.memref_slice %arg4[%add3A_40, %dma_wait3A_68] : memref<16384x128xf32, #tpu.memory_space<hbm>> -> memref<128x128xf32, #tpu.memory_space<hbm>>
        %dma_wait3A_70 = arith.constant 0 : i32
        %dma_wait3A_71 = tpu.memref_slice %arg4[%add3A_40, %dma_wait3A_70] : memref<16384x128xf32, #tpu.memory_space<hbm>> -> memref<128x128xf32, #tpu.memory_space<hbm>>
        tpu.wait_dma2 semaphore(%run_scoped3A : memref<!tpu.dma_semaphore, #tpu.memory_space<semaphore_mem>>) src(%arg15 : memref<128x128xf32, #tpu.memory_space<vmem>>) dst(%dma_wait3A_71 : memref<128x128xf32, #tpu.memory_space<hbm>>)
        tpu.yield
      }) : () -> ()
      %add3A_41 = arith.constant 1 : i32
      %add3A_42 = arith.addi %add3A_21, %add3A_41 : i32
      %add3A_43 = arith.constant 1 : i32
      %add3A_44 = arith.addi %add3A_42, %add3A_43 : i32
      %lt3A_45 = arith.constant 4 : i32
      %lt3A_46 = arith.cmpi slt, %add3A_44, %lt3A_45 : i32
      %convert_element_type3A_47 = arith.extui %lt3A_46 : i1 to i32
      %cond3A_48 = arith.constant 0 : i32
      %cond3A_49 = arith.cmpi ne, %convert_element_type3A_47, %cond3A_48 : i32
      scf.if %cond3A_49 {
        %add3A_64 = arith.constant 1 : i32
        %add3A_65 = arith.addi %add3A_42, %add3A_64 : i32
        %scan3A_66 = arith.constant 0 : i32
        %scan3A_67 = arith.constant 8 : i32
        %scan3A_68 = arith.addi %scan3A_66, %scan3A_67 : i32
        %scan3A_69 = arith.constant 1 : i32
        scf.for %scan3A_77 = %scan3A_66 to %scan3A_68 step %scan3A_69  : i32 {
          %mul3A_78 = arith.constant 16 : i32
          %mul3A_79 = arith.muli %scan3A_77, %mul3A_78 : i32
          %add3A_80 = arith.constant 0 : i32
          %add3A_81 = arith.addi %add3A_80, %mul3A_79 : i32
          %mul3A_82 = arith.constant 128 : i32
          %mul3A_83 = arith.muli %add3A_65, %mul3A_82 : i32
          %add3A_84 = arith.addi %mul3A_83, %add3A_81 : i32
          %get3A = arith.index_cast %add3A_84 : i32 to index
          %get3A_85 = tpu.vector_load %arg5[%get3A] {strides = array<i32>} : memref<512xf32, #tpu.memory_space<vmem>>, vector<16xf32>,
          %mul3A_86 = arith.constant 9.999800e+04 : f32
          %mul3A_87 = vector.broadcast %mul3A_86 : f32 to vector<16xf32>
          %mul3A_88 = arith.mulf %get3A_85, %mul3A_87 : vector<16xf32>
          %convert_element_type3A_89 = arith.fptosi %mul3A_88 : vector<16xf32> to vector<16xi32>
          %mul3A_90 = arith.constant 9.999900e+04 : f32
          %mul3A_91 = vector.broadcast %mul3A_90 : f32 to vector<16xf32>
          %mul3A_92 = arith.mulf %get3A_85, %mul3A_91 : vector<16xf32>
          %convert_element_type3A_93 = arith.sitofp %convert_element_type3A_89 : vector<16xi32> to vector<16xf32>
          %sub3A = arith.subf %mul3A_92, %convert_element_type3A_93 : vector<16xf32>
          %mul3A_94 = arith.constant 128 : i32
          %mul3A_95 = arith.muli %add3A_65, %mul3A_94 : i32
          %add3A_96 = arith.addi %mul3A_95, %add3A_81 : i32
          %swap3A = arith.index_cast %add3A_96 : i32 to index
          %swap3A_97 = tpu.vector_load %arg6[%swap3A] {strides = array<i32>} : memref<512xf32, #tpu.memory_space<vmem>>, vector<16xf32>,
          tpu.vector_store %arg6[%swap3A], %sub3A {strides = array<i32>} : memref<512xf32, #tpu.memory_space<vmem>>, vector<16xf32>,
          %swap3A_98 = arith.index_cast %add3A_81 : i32 to index
          %swap3A_99 = tpu.vector_load %arg7[%swap3A_98] {strides = array<i32>} : memref<128xi32, #tpu.memory_space<vmem>>, vector<16xi32>,
          tpu.vector_store %arg7[%swap3A_98], %convert_element_type3A_89 {strides = array<i32>} : memref<128xi32, #tpu.memory_space<vmem>>, vector<16xi32>,
          %add3A_100 = arith.constant 1 : i32
          %add3A_101 = vector.broadcast %add3A_100 : i32 to vector<16xi32>
          %add3A_102 = arith.addi %convert_element_type3A_89, %add3A_101 : vector<16xi32>
          %swap3A_103 = arith.index_cast %add3A_81 : i32 to index
          %swap3A_104 = tpu.vector_load %arg8[%swap3A_103] {strides = array<i32>} : memref<128xi32, #tpu.memory_space<vmem>>, vector<16xi32>,
          tpu.vector_store %arg8[%swap3A_103], %add3A_102 {strides = array<i32>} : memref<128xi32, #tpu.memory_space<vmem>>, vector<16xi32>,
        }
        %scan3A_70 = arith.constant 8 : i32
        %dma_start3A_71 = arith.constant 0 : i32
        %dma_start3A_72 = arith.constant 0 : i32
        %dma_start3A_73 = tpu.memref_slice %arg2[%dma_start3A_71, %dma_start3A_72] : memref<100000x128xf32, #tpu.memory_space<hbm>> -> memref<100000x128xf32, #tpu.memory_space<hbm>>
        tpu.enqueue_indirect_dma source(%dma_start3A_73 : memref<100000x128xf32, #tpu.memory_space<hbm>>) target(%arg11 : memref<128x128xf32, #tpu.memory_space<vmem>>) offsets(%arg7 : memref<128xi32, #tpu.memory_space<vmem>>) semaphore(%arg16 : memref<!tpu.dma_semaphore, #tpu.memory_space<semaphore_mem>>)
        %dma_start3A_74 = arith.constant 0 : i32
        %dma_start3A_75 = arith.constant 0 : i32
        %dma_start3A_76 = tpu.memref_slice %arg2[%dma_start3A_74, %dma_start3A_75] : memref<100000x128xf32, #tpu.memory_space<hbm>> -> memref<100000x128xf32, #tpu.memory_space<hbm>>
        tpu.enqueue_indirect_dma source(%dma_start3A_76 : memref<100000x128xf32, #tpu.memory_space<hbm>>) target(%arg12 : memref<128x128xf32, #tpu.memory_space<vmem>>) offsets(%arg8 : memref<128xi32, #tpu.memory_space<vmem>>) semaphore(%arg16 : memref<!tpu.dma_semaphore, #tpu.memory_space<semaphore_mem>>)
      } else {
      }
      %dma_wait3A_50 = arith.constant 0 : i32
      %dma_wait3A_51 = arith.constant 0 : i32
      %dma_wait3A_52 = tpu.memref_slice %arg2[%dma_wait3A_50, %dma_wait3A_51] : memref<100000x128xf32, #tpu.memory_space<hbm>> -> memref<100000x128xf32, #tpu.memory_space<hbm>>
      tpu.wait_indirect_dma semaphore(%arg17 : memref<!tpu.dma_semaphore, #tpu.memory_space<semaphore_mem>>) src(%dma_wait3A_52 : memref<100000x128xf32, #tpu.memory_space<hbm>>) dst(%arg13 : memref<128x128xf32, #tpu.memory_space<vmem>>)
      %dma_wait3A_53 = arith.constant 0 : i32
      %dma_wait3A_54 = arith.constant 0 : i32
      %dma_wait3A_55 = tpu.memref_slice %arg2[%dma_wait3A_53, %dma_wait3A_54] : memref<100000x128xf32, #tpu.memory_space<hbm>> -> memref<100000x128xf32, #tpu.memory_space<hbm>>
      tpu.wait_indirect_dma semaphore(%arg17 : memref<!tpu.dma_semaphore, #tpu.memory_space<semaphore_mem>>) src(%dma_wait3A_55 : memref<100000x128xf32, #tpu.memory_space<hbm>>) dst(%arg14 : memref<128x128xf32, #tpu.memory_space<vmem>>)
      %scan3A_56 = arith.constant 0 : i32
      %scan3A_57 = arith.constant 128 : i32
      %scan3A_58 = arith.addi %scan3A_56, %scan3A_57 : i32
      %scan3A_59 = arith.constant 1 : i32
      scf.for %scan3A_64 = %scan3A_56 to %scan3A_58 step %scan3A_59  : i32 {
        %mul3A_65 = arith.constant 1 : i32
        %mul3A_66 = arith.muli %scan3A_64, %mul3A_65 : i32
        %add3A_67 = arith.constant 0 : i32
        %add3A_68 = arith.addi %add3A_67, %mul3A_66 : i32
        %mul3A_69 = arith.constant 128 : i32
        %mul3A_70 = arith.muli %add3A_42, %mul3A_69 : i32
        %add3A_71 = arith.addi %mul3A_70, %add3A_68 : i32
        %broadcast_in_dim3A = vector.broadcast %add3A_71 : i32 to vector<16xi32>
        %gather3A = tpu.vector_load_idx %arg6[%broadcast_in_dim3A] : memref<512xf32, #tpu.memory_space<vmem>>[vector<16xi32>], vector<16xf32>,
        %sub3A = arith.constant 1.000000e+00 : f32
        %sub3A_72 = vector.broadcast %sub3A : f32 to vector<16xf32>
        %sub3A_73 = arith.subf %sub3A_72, %gather3A : vector<16xf32>
        %get3A = arith.index_cast %add3A_68 : i32 to index
        %get3A_74 = arith.constant 0 : index
        %get3A_75 = tpu.vector_load %arg13[%get3A, %get3A_74] {strides = array<i32>} : memref<128x128xf32, #tpu.memory_space<vmem>>, vector<16xf32>,
        %get3A_76 = arith.index_cast %add3A_68 : i32 to index
        %get3A_77 = arith.constant 0 : index
        %get3A_78 = tpu.vector_load %arg14[%get3A_76, %get3A_77] {strides = array<i32>} : memref<128x128xf32, #tpu.memory_space<vmem>>, vector<16xf32>,
        %mul3A_79 = arith.mulf %sub3A_73, %get3A_75 : vector<16xf32>
        %mul3A_80 = arith.mulf %gather3A, %get3A_78 : vector<16xf32>
        %add3A_81 = arith.addf %mul3A_79, %mul3A_80 : vector<16xf32>
        %swap3A = arith.index_cast %add3A_68 : i32 to index
        %swap3A_82 = arith.constant 0 : index
        %swap3A_83 = tpu.vector_load %arg15[%swap3A, %swap3A_82] {strides = array<i32>} : memref<128x128xf32, #tpu.memory_space<vmem>>, vector<16xf32>,
        tpu.vector_store %arg15[%swap3A, %swap3A_82], %add3A_81 {strides = array<i32>} : memref<128x128xf32, #tpu.memory_space<vmem>>, vector<16xf32>,
        %get3A_84 = arith.index_cast %add3A_68 : i32 to index
        %get3A_85 = arith.constant 16 : index
        %get3A_86 = tpu.vector_load %arg13[%get3A_84, %get3A_85] {strides = array<i32>} : memref<128x128xf32, #tpu.memory_space<vmem>>, vector<16xf32>,
        %get3A_87 = arith.index_cast %add3A_68 : i32 to index
        %get3A_88 = arith.constant 16 : index
        %get3A_89 = tpu.vector_load %arg14[%get3A_87, %get3A_88] {strides = array<i32>} : memref<128x128xf32, #tpu.memory_space<vmem>>, vector<16xf32>,
        %mul3A_90 = arith.mulf %sub3A_73, %get3A_86 : vector<16xf32>
        %mul3A_91 = arith.mulf %gather3A, %get3A_89 : vector<16xf32>
        %add3A_92 = arith.addf %mul3A_90, %mul3A_91 : vector<16xf32>
        %swap3A_93 = arith.index_cast %add3A_68 : i32 to index
        %swap3A_94 = arith.constant 16 : index
        %swap3A_95 = tpu.vector_load %arg15[%swap3A_93, %swap3A_94] {strides = array<i32>} : memref<128x128xf32, #tpu.memory_space<vmem>>, vector<16xf32>,
        tpu.vector_store %arg15[%swap3A_93, %swap3A_94], %add3A_92 {strides = array<i32>} : memref<128x128xf32, #tpu.memory_space<vmem>>, vector<16xf32>,
        %get3A_96 = arith.index_cast %add3A_68 : i32 to index
        %get3A_97 = arith.constant 32 : index
        %get3A_98 = tpu.vector_load %arg13[%get3A_96, %get3A_97] {strides = array<i32>} : memref<128x128xf32, #tpu.memory_space<vmem>>, vector<16xf32>,
        %get3A_99 = arith.index_cast %add3A_68 : i32 to index
        %get3A_100 = arith.constant 32 : index
        %get3A_101 = tpu.vector_load %arg14[%get3A_99, %get3A_100] {strides = array<i32>} : memref<128x128xf32, #tpu.memory_space<vmem>>, vector<16xf32>,
        %mul3A_102 = arith.mulf %sub3A_73, %get3A_98 : vector<16xf32>
        %mul3A_103 = arith.mulf %gather3A, %get3A_101 : vector<16xf32>
        %add3A_104 = arith.addf %mul3A_102, %mul3A_103 : vector<16xf32>
        %swap3A_105 = arith.index_cast %add3A_68 : i32 to index
        %swap3A_106 = arith.constant 32 : index
        %swap3A_107 = tpu.vector_load %arg15[%swap3A_105, %swap3A_106] {strides = array<i32>} : memref<128x128xf32, #tpu.memory_space<vmem>>, vector<16xf32>,
        tpu.vector_store %arg15[%swap3A_105, %swap3A_106], %add3A_104 {strides = array<i32>} : memref<128x128xf32, #tpu.memory_space<vmem>>, vector<16xf32>,
        %get3A_108 = arith.index_cast %add3A_68 : i32 to index
        %get3A_109 = arith.constant 48 : index
        %get3A_110 = tpu.vector_load %arg13[%get3A_108, %get3A_109] {strides = array<i32>} : memref<128x128xf32, #tpu.memory_space<vmem>>, vector<16xf32>,
        %get3A_111 = arith.index_cast %add3A_68 : i32 to index
        %get3A_112 = arith.constant 48 : index
        %get3A_113 = tpu.vector_load %arg14[%get3A_111, %get3A_112] {strides = array<i32>} : memref<128x128xf32, #tpu.memory_space<vmem>>, vector<16xf32>,
        %mul3A_114 = arith.mulf %sub3A_73, %get3A_110 : vector<16xf32>
        %mul3A_115 = arith.mulf %gather3A, %get3A_113 : vector<16xf32>
        %add3A_116 = arith.addf %mul3A_114, %mul3A_115 : vector<16xf32>
        %swap3A_117 = arith.index_cast %add3A_68 : i32 to index
        %swap3A_118 = arith.constant 48 : index
        %swap3A_119 = tpu.vector_load %arg15[%swap3A_117, %swap3A_118] {strides = array<i32>} : memref<128x128xf32, #tpu.memory_space<vmem>>, vector<16xf32>,
        tpu.vector_store %arg15[%swap3A_117, %swap3A_118], %add3A_116 {strides = array<i32>} : memref<128x128xf32, #tpu.memory_space<vmem>>, vector<16xf32>,
        %get3A_120 = arith.index_cast %add3A_68 : i32 to index
        %get3A_121 = arith.constant 64 : index
        %get3A_122 = tpu.vector_load %arg13[%get3A_120, %get3A_121] {strides = array<i32>} : memref<128x128xf32, #tpu.memory_space<vmem>>, vector<16xf32>,
        %get3A_123 = arith.index_cast %add3A_68 : i32 to index
        %get3A_124 = arith.constant 64 : index
        %get3A_125 = tpu.vector_load %arg14[%get3A_123, %get3A_124] {strides = array<i32>} : memref<128x128xf32, #tpu.memory_space<vmem>>, vector<16xf32>,
        %mul3A_126 = arith.mulf %sub3A_73, %get3A_122 : vector<16xf32>
        %mul3A_127 = arith.mulf %gather3A, %get3A_125 : vector<16xf32>
        %add3A_128 = arith.addf %mul3A_126, %mul3A_127 : vector<16xf32>
        %swap3A_129 = arith.index_cast %add3A_68 : i32 to index
        %swap3A_130 = arith.constant 64 : index
        %swap3A_131 = tpu.vector_load %arg15[%swap3A_129, %swap3A_130] {strides = array<i32>} : memref<128x128xf32, #tpu.memory_space<vmem>>, vector<16xf32>,
        tpu.vector_store %arg15[%swap3A_129, %swap3A_130], %add3A_128 {strides = array<i32>} : memref<128x128xf32, #tpu.memory_space<vmem>>, vector<16xf32>,
        %get3A_132 = arith.index_cast %add3A_68 : i32 to index
        %get3A_133 = arith.constant 80 : index
        %get3A_134 = tpu.vector_load %arg13[%get3A_132, %get3A_133] {strides = array<i32>} : memref<128x128xf32, #tpu.memory_space<vmem>>, vector<16xf32>,
        %get3A_135 = arith.index_cast %add3A_68 : i32 to index
        %get3A_136 = arith.constant 80 : index
        %get3A_137 = tpu.vector_load %arg14[%get3A_135, %get3A_136] {strides = array<i32>} : memref<128x128xf32, #tpu.memory_space<vmem>>, vector<16xf32>,
        %mul3A_138 = arith.mulf %sub3A_73, %get3A_134 : vector<16xf32>
        %mul3A_139 = arith.mulf %gather3A, %get3A_137 : vector<16xf32>
        %add3A_140 = arith.addf %mul3A_138, %mul3A_139 : vector<16xf32>
        %swap3A_141 = arith.index_cast %add3A_68 : i32 to index
        %swap3A_142 = arith.constant 80 : index
        %swap3A_143 = tpu.vector_load %arg15[%swap3A_141, %swap3A_142] {strides = array<i32>} : memref<128x128xf32, #tpu.memory_space<vmem>>, vector<16xf32>,
        tpu.vector_store %arg15[%swap3A_141, %swap3A_142], %add3A_140 {strides = array<i32>} : memref<128x128xf32, #tpu.memory_space<vmem>>, vector<16xf32>,
        %get3A_144 = arith.index_cast %add3A_68 : i32 to index
        %get3A_145 = arith.constant 96 : index
        %get3A_146 = tpu.vector_load %arg13[%get3A_144, %get3A_145] {strides = array<i32>} : memref<128x128xf32, #tpu.memory_space<vmem>>, vector<16xf32>,
        %get3A_147 = arith.index_cast %add3A_68 : i32 to index
        %get3A_148 = arith.constant 96 : index
        %get3A_149 = tpu.vector_load %arg14[%get3A_147, %get3A_148] {strides = array<i32>} : memref<128x128xf32, #tpu.memory_space<vmem>>, vector<16xf32>,
        %mul3A_150 = arith.mulf %sub3A_73, %get3A_146 : vector<16xf32>
        %mul3A_151 = arith.mulf %gather3A, %get3A_149 : vector<16xf32>
        %add3A_152 = arith.addf %mul3A_150, %mul3A_151 : vector<16xf32>
        %swap3A_153 = arith.index_cast %add3A_68 : i32 to index
        %swap3A_154 = arith.constant 96 : index
        %swap3A_155 = tpu.vector_load %arg15[%swap3A_153, %swap3A_154] {strides = array<i32>} : memref<128x128xf32, #tpu.memory_space<vmem>>, vector<16xf32>,
        tpu.vector_store %arg15[%swap3A_153, %swap3A_154], %add3A_152 {strides = array<i32>} : memref<128x128xf32, #tpu.memory_space<vmem>>, vector<16xf32>,
        %get3A_156 = arith.index_cast %add3A_68 : i32 to index
        %get3A_157 = arith.constant 112 : index
        %get3A_158 = tpu.vector_load %arg13[%get3A_156, %get3A_157] {strides = array<i32>} : memref<128x128xf32, #tpu.memory_space<vmem>>, vector<16xf32>,
        %get3A_159 = arith.index_cast %add3A_68 : i32 to index
        %get3A_160 = arith.constant 112 : index
        %get3A_161 = tpu.vector_load %arg14[%get3A_159, %get3A_160] {strides = array<i32>} : memref<128x128xf32, #tpu.memory_space<vmem>>, vector<16xf32>,
        %mul3A_162 = arith.mulf %sub3A_73, %get3A_158 : vector<16xf32>
        %mul3A_163 = arith.mulf %gather3A, %get3A_161 : vector<16xf32>
        %add3A_164 = arith.addf %mul3A_162, %mul3A_163 : vector<16xf32>
        %swap3A_165 = arith.index_cast %add3A_68 : i32 to index
        %swap3A_166 = arith.constant 112 : index
        %swap3A_167 = tpu.vector_load %arg15[%swap3A_165, %swap3A_166] {strides = array<i32>} : memref<128x128xf32, #tpu.memory_space<vmem>>, vector<16xf32>,
        tpu.vector_store %arg15[%swap3A_165, %swap3A_166], %add3A_164 {strides = array<i32>} : memref<128x128xf32, #tpu.memory_space<vmem>>, vector<16xf32>,
      }
      %scan3A_60 = arith.constant 128 : i32
      %mul3A_61 = arith.constant 128 : i32
      %mul3A_62 = arith.muli %add3A_42, %mul3A_61 : i32
      %add3A_63 = arith.addi %mul3A_2, %mul3A_62 : i32
      "tpu.region"() ({
        %run_scoped3A = tpu.sem_alloc : memref<!tpu.dma_semaphore, #tpu.memory_space<semaphore_mem>>
        %dma_start3A_64 = arith.constant 0 : i32
        %dma_start3A_65 = tpu.memref_slice %arg4[%add3A_63, %dma_start3A_64] : memref<16384x128xf32, #tpu.memory_space<hbm>> -> memref<128x128xf32, #tpu.memory_space<hbm>>
        %dma_start3A_66 = arith.constant 0 : i32
        %dma_start3A_67 = tpu.memref_slice %arg4[%add3A_63, %dma_start3A_66] : memref<16384x128xf32, #tpu.memory_space<hbm>> -> memref<128x128xf32, #tpu.memory_space<hbm>>
        tpu.enqueue_dma source(%arg15 : memref<128x128xf32, #tpu.memory_space<vmem>>) target(%dma_start3A_67 : memref<128x128xf32, #tpu.memory_space<hbm>>) target_semaphore(%run_scoped3A : memref<!tpu.dma_semaphore, #tpu.memory_space<semaphore_mem>>)
        %dma_wait3A_68 = arith.constant 0 : i32
        %dma_wait3A_69 = tpu.memref_slice %arg4[%add3A_63, %dma_wait3A_68] : memref<16384x128xf32, #tpu.memory_space<hbm>> -> memref<128x128xf32, #tpu.memory_space<hbm>>
        %dma_wait3A_70 = arith.constant 0 : i32
        %dma_wait3A_71 = tpu.memref_slice %arg4[%add3A_63, %dma_wait3A_70] : memref<16384x128xf32, #tpu.memory_space<hbm>> -> memref<128x128xf32, #tpu.memory_space<hbm>>
        tpu.wait_dma2 semaphore(%run_scoped3A : memref<!tpu.dma_semaphore, #tpu.memory_space<semaphore_mem>>) src(%arg15 : memref<128x128xf32, #tpu.memory_space<vmem>>) dst(%dma_wait3A_71 : memref<128x128xf32, #tpu.memory_space<hbm>>)
        tpu.yield
      }) : () -> ()
    }
    %scan3A_16 = arith.constant 2 : i32
    return
  }
}

</mosaic_0001>

<sc_bundles>
// kernel: kernel.3.cloned.1.call-start
scs
__scs_entry_jumppad:
0x0: {  	(pc) =	sbr.rel $0x88, $3  }
0x1: {  	(tag) =	ssettag $0x0;
	lr =	simm.s32 $0x1  }
0x2: {  	[smem:$0x3F9F] =	sst lr;
	_ =	strace $0xD0000000  }
0x3: {  	_ = 	snop  }
0x4: {  	_ = 	snop  }
0x5: {  	_ = 	snop  }
0x6: {  	_ = 	snop  }
0x7: {  	_ = 	snop  }
__scs_overlays_trampoline_lowered:
0x8: {  	[smem:$0x3FAE] =	sst s0  }
0x9: {  	[smem:$0x3FAF] =	sst s1  }
0xa: {  	[smem:$0x3FB0] =	sst s2  }
0xb: {  	[smem:$0x3FB1] =	sst s3  }
0xc: {  	[smem:$0x3FB2] =	sst s4  }
0xd: {  	[smem:$0x3FB3] =	sst s5  }
0xe: {  	[smem:$0x3FB4] =	sst s6  }
0xf: {  	[smem:$0x3FB5] =	sst s7  }
0x10: {  	[smem:$0x3FB6] =	sst s8  }
0x11: {  	[smem:$0x3FB7] =	sst s9;
	s0 =	simm.s32 @!p0 $0x0  }
0x12: {  	s1 =	sld [smem:$0x3F9D];
	s0 =	simm.s32 @p0 $0x1  }
0x13: {  	[smem:$0x3FB8] =	sst s0;
	s0 =	simm.s32 @!p1 $0x0  }
0x14: {  	s2 =	sld [smem:$0x3F9C];
	s0 =	simm.s32 @p1 $0x1  }
0x15: {  	[smem:$0x3FB9] =	sst s0;
	s0 =	simm.s32 @!p2 $0x0  }
0x16: {  	s3 =	sld [smem:$0x3FDB];
	s0 =	simm.s32 @p2 $0x1  }
0x17: {  	s4 =	simm.s32 $0x1BF5;
	[smem:$0x3FBB] =	sst s0  }
0x18: {  	s0 =	sld [smem:$0x3F9E];
	_ =	swait.ge [sflag:s4], $0x0  }
0x19: {  	s7 =	sld [smem:$0x3F9F]  }
0x1a: {  	s8 =	sadd.s32 $0xFFFFE003, lr  }
0x1b: {  	s9 =	sadd.s32 $0xFFFFFEF7, lr;
	s5 =	simm.s32 $0xFFFFFFFF;
	p2 =	slt.u32 s8, $0xFFFFF086  }
0x1c: {  	p1 =	slt.u32 s9, $0xF7A;
	s5 =	simm.s32 @!p2 $0x0  }
0x1d: {  	s5 =	simm.s32 @p1 $0x1;
	p0 =	seq.s32 s7, s2  }
0x1e: {  	s7 =	smul.u32 @!p0 $0xF7A, s2;
	p2 =	seq.s32 @!p0 s5, $0x0  }
0x1f: {  	s9 =	smul.u32 $0xF7A, s1;
	s8 =	simm.s32 @!p0 $0x1BF5;
	p2 =	por !p2, p0  }
0x20: {  	[sflag:s8] =	ssyncset.s32 @!p0 $0xFFFFF086;
	s6 =	sadd.s32 @!p0 s3, s7;
	s7 =	simm.s32 @!p0 $0x108  }
0x21: {  	s3 =	sadd.s32 s3, s9;
	s6 =	sadd.s32 @!p0 $0x88, s6;
	s7 =	simm.s32 @p2 $0x1082  }
0x22: {  	[simem:s7], [sflag:s8] =	dma.local @!p0 [hbm:s6], $0xF7A  }
0x23: {  	s9 =	sor.u32 $0xD0000000, s2;
	s6 =	simm.s32 $0x108;
	_ =	swait.ge @!p0 [sflag:s8], $0x0  }
0x24: {  	s3 =	sadd.s32 $0x88, s3;
	s6 =	simm.s32 @!p1 $0x1082;
	[sflag:s4] =	ssyncset.s32 $0xFFFFF086  }
0x25: {  	[simem:s6], [sflag:s4] =	dma.local [hbm:s3], $0xF7A  }
0x26: {  	[smem:$0x3F9F] =	sst s1;
	(tag) =	ssettag s2;
	_ =	strace s9  }
0x27: {  	s1 =	sld [smem:$0x3FAF]  }
0x28: {  	s2 =	sld [smem:$0x3FB0]  }
0x29: {  	s4 =	sld [smem:$0x3FB2]  }
0x2a: {  	p0 =	seq.s32 s5, $0x0;
	s5 =	sld [smem:$0x3FB3]  }
0x2b: {  	s6 =	sld [smem:$0x3FB4]  }
0x2c: {  	s7 =	sld [smem:$0x3FB5]  }
0x2d: {  	s3 =	simm.s32 $0x108;
	s8 =	sld [smem:$0x3FB6]  }
0x2e: {  	s3 =	simm.s32 @!p0 $0x1082;
	s9 =	sld [smem:$0x3FB7]  }
0x2f: {  	lr =	sadd.s32 s0, s3;
	s0 =	sld [smem:$0x3FAE]  }
0x30: {  	s3 =	sld [smem:$0x3FB1]  }
0x31: {  	[smem:$0x3FBA] =	sst s10  }
0x32: {  	s10 =	sld [smem:$0x3FB8];
	_ =	sdelay $0x3  }
0x33: {  	p0 =	seq.s32 s10, $0x1;
	s10 =	sld [smem:$0x3FBA];
	_ =	sdelay $0x3  }
0x34: {  	[smem:$0x3FBA] =	sst s10  }
0x35: {  	s10 =	sld [smem:$0x3FB9];
	_ =	sdelay $0x3  }
0x36: {  	p1 =	seq.s32 s10, $0x1;
	s10 =	sld [smem:$0x3FBA];
	_ =	sdelay $0x3  }
0x37: {  	[smem:$0x3FBA] =	sst s10  }
0x38: {  	s10 =	sld [smem:$0x3FBB]  }
0x39: {  	_ = 	snop;
	(pc) =	sbr.ind lr, $3  }
0x3a: {  	_ = 	snop  }
0x3b: {  	_ = 	snop  }
0x3c: {  	p2 =	seq.s32 s10, $0x1;
	s10 =	sld [smem:$0x3FBA]  }
0x3d: {  	_ =	shalt  }
0x3e: {  	_ =	shalt  }
0x3f: {  	_ =	shalt  }
0x40: {  	_ =	shalt  }
0x41: {  	_ =	shalt  }
0x42: {  	_ =	shalt  }
0x43: {  	_ =	shalt  }
0x44: {  	_ =	shalt  }
0x45: {  	_ =	shalt  }
0x46: {  	_ =	shalt  }
0x47: {  	_ =	shalt  }
0x48: {  	_ =	shalt  }
0x49: {  	_ =	shalt  }
0x4a: {  	_ =	shalt  }
0x4b: {  	_ =	shalt  }
0x4c: {  	_ =	shalt  }
0x4d: {  	_ =	shalt  }
0x4e: {  	_ =	shalt  }
0x4f: {  	_ =	shalt  }
0x50: {  	_ =	shalt  }
0x51: {  	_ =	shalt  }
0x52: {  	_ =	shalt  }
0x53: {  	_ =	shalt  }
0x54: {  	_ =	shalt  }
0x55: {  	_ =	shalt  }
0x56: {  	_ =	shalt  }
0x57: {  	_ =	shalt  }
0x58: {  	_ =	shalt  }
0x59: {  	_ =	shalt  }
0x5a: {  	_ =	shalt  }
0x5b: {  	_ =	shalt  }
0x5c: {  	_ =	shalt  }
0x5d: {  	_ =	shalt  }
0x5e: {  	_ =	shalt  }
0x5f: {  	_ =	shalt  }
0x60: {  	_ =	shalt  }
0x61: {  	_ =	shalt  }
0x62: {  	_ =	shalt  }
0x63: {  	_ =	shalt  }
0x64: {  	_ =	shalt  }
0x65: {  	_ =	shalt  }
0x66: {  	_ =	shalt  }
0x67: {  	_ =	shalt  }
0x68: {  	_ =	shalt  }
0x69: {  	_ =	shalt  }
0x6a: {  	_ =	shalt  }
0x6b: {  	_ =	shalt  }
0x6c: {  	_ =	shalt  }
0x6d: {  	_ =	shalt  }
0x6e: {  	_ =	shalt  }
0x6f: {  	_ =	shalt  }
0x70: {  	_ =	shalt  }
0x71: {  	_ =	shalt  }
0x72: {  	_ =	shalt  }
0x73: {  	_ =	shalt  }
0x74: {  	_ =	shalt  }
0x75: {  	_ =	shalt  }
0x76: {  	_ =	shalt  }
0x77: {  	_ =	shalt  }
0x78: {  	_ =	shalt  }
0x79: {  	_ =	shalt  }
0x7a: {  	_ =	shalt  }
0x7b: {  	_ =	shalt  }
0x7c: {  	_ =	shalt  }
0x7d: {  	_ =	shalt  }
0x7e: {  	_ =	shalt  }
0x7f: {  	_ =	shalt  }
0x80: {  	_ =	shalt  }
0x81: {  	_ =	shalt  }
0x82: {  	_ =	shalt  }
0x83: {  	_ =	shalt  }
0x84: {  	_ =	shalt  }
0x85: {  	_ =	shalt  }
0x86: {  	_ =	shalt  }
0x87: {  	_ =	shalt  }
.Lfunc_end0:
.L_simem_size_0:
called_computation_lowered:
.L_overlay_start_0:
0x88: {  	s2 =	sld [smem:$0x3FD9]  }
0x89: {  	s3 =	sld [smem:$0x3FFE];
	_ =	sdelay $0x1  }
0x8a: {  	s1 =	srdreg.scid  }
0x8b: {  	s0 =	sand.u32 $0x1, s1  }
0x8c: {  	s17 =	sshll.u32 s0, $0xA;
	s2 =	sadd.s32 s3, s2  }
0x8d: {  	s2 =	sadd.s32 s2, s17  }
0x8e: {  	[smem:$0x3FC6] =	sst s2  }
0x8f: {  	_ = 	snop  }
0x90: {  	s2 =	sld [smem:$0x3FC9]  }
0x91: {  	s18 =	sld [smem:$0x3FD0];
	(tm) =	ssettm $0x1  }
0x92: {  	s4 =	sld [smem:$0x3FFB];
	_ =	sdelay $0x3  }
0x93: {  	_ =	strace s4  }
0x94: {  	s4 =	sld [smem:$0x3FFC];
	_ =	sdelay $0x3  }
0x95: {  	_ =	strace s4  }
0x96: {  	s4 =	sld [smem:$0x3FFD];
	_ =	sdelay $0x3  }
0x97: {  	_ =	strace s4  }
0x98: {  	_ =	strace $0x8FFFFFFF  }
0x99: {  	s19 =	sld [smem:$0x3FDB];
	_ =	sdelay $0x1  }
0x9a: {  	s5 =	simm.s32 $_scs_section_size  }
0x9b: {  	s6 =	simm.s32 $_size__tile_overlayer_lowered;
	s7 =	simm.s32 $_tile_overlayer_lowered  }
0x9c: {  	s22 =	simm.s32 $0x1BFF;
	s21 =	sshll.u32 s7, $0x1;
	s4 =	sadd.s32 s5, s19  }
0x9d: {  	s8 =	simm.s32 $0x0;
	s20 =	sshll.u32 s6, $0x1;
	s6 =	sadd.s32 s21, s4  }
0x9e: {  	[timem:s8], [sflag:s22] =	dma.local [hbm:s6], s20  }
0x9f: {  	_ =	swait.ge [sflag:s22], s20  }
0xa0: {  	s5 =	ssub.s32 $0x0, s20;
	[sflag:s22] =	ssyncset.done $0x0  }
0xa1: {  	[sflag:s22] =	ssyncadd.s32 s5;
	_ =	sdelay $0x1  }
0xa2: {  	s23 =	simm.s32 $0x1B8B  }
0xa3: {  	_ =	swait.ge [sflag:s23], $0x1  }
0xa4: {  	[sflag:s23] =	ssyncset.done $0x0  }
0xa5: {  	s25 =	simm.s32 $0x1B8E;
	s24 =	sld [smem:$0x3FFE];
	[sflag:s23] =	ssyncadd.s32 $0xFFFFFFFF  }
0xa6: {  	s26 =	simm.s32 $execute0_lowered;
	[smem:$0x3FD2] =	sst s25  }
0xa7: {  	s6 =	sshll.u32 s26, $0x1;
	_ =	strace $0x80000046;
	[dreg:$0x1] =	wrdreg $0xFFFFFFFF  }
0xa8: {  	s28 =	simm.s32 $_size_execute0_lowered;
	s4 =	sadd.s32 s4, s6;
	[dreg:$0x0] =	wrdreg $0x0  }
0xa9: {  	s6 =	sshll.u32 s28, $0x1;
	[dreg:$0x2] =	wrdreg s4  }
0xaa: {  	[dreg:$0x3] =	wrdreg s6  }
0xab: {  	[dreg:$0x4] =	wrdreg $0xC0  }
0xac: {  	_ =	task [dreg:s8], $0x5FFFF  }
0xad: {  	[dreg:$0x1] =	wrdreg $0xFFFFFFFF  }
0xae: {  	[dreg:$0x0] =	wrdreg $0x60  }
0xaf: {  	[dreg:$0x2] =	wrdreg s24  }
0xb0: {  	[dreg:$0x3] =	wrdreg s2  }
0xb1: {  	[dreg:$0x4] =	wrdreg s18  }
0xb2: {  	[dreg:$0x5] =	wrdreg $0x9  }
0xb3: {  	_ =	task.clear_ibuf [dreg:s8], $0x6FFFF;
	_ =	strace $0x90000046  }
0xb4: {  	s29 =	simm.s32 $0x9;
	_ =	strace $0x80000048  }
0xb5: {  	_ =	swait.ge [sflag:s29], $0x1  }
0xb6: {  	[sflag:s29] =	ssyncadd.s32 $0xFFFFFFFF  }
0xb7: {  	_ =	strace $0x90000048  }
0xb8: {  	_ =	sfence  }
0xb9: {  	s30 =	sld [smem:$0x0];
	_ =	sdelay $0x2  }
0xba: {  	s31 =	sshll.u32 s1, $0xD;
	s1 =	sshrl.u32 s1, $0x2  }
0xbb: {  	s3 =	sand.u32 $0x4000, s31;
	s1 =	sadd.s32 s1, s30  }
0xbc: {  	s0 =	sor.u32 s3, s0;
	s1 =	sshll.u32 s1, $0x11  }
0xbd: {  	s0 =	sor.u32 s1, s0  }
0xbe: {  	s0 =	sadd.s32 $0x8F2B, s0  }
0xbf: {  	[sflag:s0] =	ssyncadd.remote.s32 $0x1  }
0xc0: {  	_ =	sfence.sel $0xFFFF  }
0xc1: {  	[dreg:$0x0] =	wrdreg $0xFFFFFFFF;
	(pc) =	sbr.abs _section_cstart, $3  }
0xc2: {  	[dreg:$0x1] =	wrdreg $0xFFFFFFFF  }
0xc3: {  	_ =	task.clear_ibuf [dreg:s8], $0x2FFFF;
	_ =	strace $0x9FFFFFFF  }
0xc4: {  	(tm) =	ssettm $0x7FFFFFFF  }
0xc5: {  	_ =	shalt  }
tec
execute0_lowered:
.L_overlay_start_1:
0x0: {  	(tag) =	ssettag $0x1  }
0x1: {  	s3 =	rddreg [dreg:$0x0]  }
0x2: {  	s4 =	rddreg [dreg:$0x1]  }
0x3: {  	s5 =	rddreg [dreg:$0x2]  }
0x4: {  	s0 =	rddreg [dreg:$0x3]  }
0x5: {  	s2 =	simm.s32 $0x0;
	s6 =	srdreg.scid;
	s1 =	stileid.u32  }
0x6: {  	s10 =	simm.s32 $0x600;
	s11 =	simm.s32 $0x480;
	s12 =	simm.s32 $0x4600  }
0x7: {  	s13 =	simm.s32 $0x500;
	s14 =	simm.s32 $0x8600;
	s15 =	simm.s32 $0x580  }
0x8: {  	s16 =	simm.s32 $0xC600;
	s17 =	simm.s32 $0x1;
	s18 =	simm.s32 $0x200  }
0x9: {  	s19 =	simm.s32 $0x10600;
	s20 =	simm.s32 $0x2;
	s21 =	simm.s32 $0x0  }
0xa: {  	[smem:$0x7FF] =	sst s2;
	s6 =	sand.u32 $0x1, s6;
	s8 =	sshll.u32 s1, $0xA  }
0xb: {  	s3 =	sadd.s32 $0x187400, s3;
	s7 =	ssub.s32 $0x2, s6;
	s6 =	sshll.u32 s6, $0x9  }
0xc: {  	_ =	strace $0x80000047;
	s9 =	sshrl.u32 s7, $0x1;
	s6 =	sor.u32 s6, s8  }
0xd: {  	s7 =	ssub.s32 s7, s9;
	s8 =	sshrl.u32 s6, $0x3;
	s6 =	sshll.u32 s6, $0x4  }
0xe: {  	s9 =	simm.s32 $0x400;
	s4 =	sadd.s32 s4, s8;
	s5 =	sadd.s32 s5, s6  }
0xf: {  	s6 =	smax.u32 s7, $0x1;
	s7 =	simm.s32 $0x3;
	s8 =	simm.s32 $0x80  }
.LBB2_1:
0x10: {  	[tilespmem:s2], [sflag:$0x3] =	stream.linear.gather [hbm4b:s4+s2], $0x200, $0x38;
	[tilespmem:$0x14600] =	vst v63  }
0x11: {  	_ =	swait.ge [sflag:s7], $0x200  }
0x12: {  	[sflag:s7] =	ssyncset.done $0x0  }
0x13: {  	[sflag:s7] =	ssyncadd.s32 $0xFFFFFE00  }
0x14: {  	v0 =	vld [tilespmem:$0x0]  }
0x15: {  	v1 =	vld [tilespmem:$0x10]  }
0x16: {  	v3 =	vld [tilespmem:$0x20]  }
0x17: {  	v48 =	vld [tilespmem:$0x70];
	_ =	sdelay $0x2  }
0x18: {  	v5 =	vld [tilespmem:$0x30];
	v2 =	vmul.f32 $9.999800000e+04, v0;
	v4 =	vmul.f32 $9.999800000e+04, v1  }
0x19: {  	v35 =	vld [tilespmem:$0x40];
	v0 =	vmul.f32 $9.999900000e+04, v0;
	v7 =	vmul.f32 $9.999800000e+04, v3  }
0x1a: {  	v38 =	vld [tilespmem:$0x50];
	v55 =	vmul.f32 $9.999800000e+04, v48;
	v2 =	vtrunc.f32 v2  }
0x1b: {  	v4 =	vtrunc.f32 v4;
	v2 =	vcvt.f32.s32 v2  }
0x1c: {  	v7 =	vtrunc.f32 v7;
	v4 =	vcvt.f32.s32 v4  }
0x1d: {  	v58 =	vtrunc.f32 v55;
	v36 =	vcvt.f32.s32 v7;
	[tilespmem:$0x400] =	vst v2  }
0x1e: {  	v37 =	vmul.f32 $9.999800000e+04, v5;
	v59 =	vcvt.f32.s32 v58;
	[tilespmem:$0x410] =	vst v4  }
0x1f: {  	v41 =	vmul.f32 $9.999800000e+04, v35;
	v46 =	vmul.f32 $9.999800000e+04, v38;
	[tilespmem:$0x420] =	vst v36  }
0x20: {  	v43 =	vld [tilespmem:$0x60];
	v7 =	vtrunc.f32 v37;
	v6 =	vcvt.s32.f32 v2;
	v2 =	vadd.s32 $0x1, v2;
	[tilespmem:$0x470] =	vst v59  }
0x21: {  	v40 =	vcvt.f32.s32 v7;
	v8 =	vcvt.s32.f32 v4;
	v4 =	vadd.s32 $0x1, v4;
	[tilespmem:$0x480] =	vst v2  }
0x22: {  	v1 =	vmul.f32 $9.999900000e+04, v1;
	v7 =	vtrunc.f32 v41;
	[tilespmem:$0x490] =	vst v4  }
0x23: {  	v45 =	vcvt.f32.s32 v7;
	v7 =	vtrunc.f32 v46;
	v63 =	vadd.s32 $0x1, v59;
	[tilespmem:$0x430] =	vst v40  }
0x24: {  	v3 =	vmul.f32 $9.999900000e+04, v3;
	v50 =	vcvt.f32.s32 v7;
	[tilespmem:$0x4F0] =	vst v63  }
0x25: {  	v51 =	vmul.f32 $9.999800000e+04, v43;
	v39 =	vcvt.s32.f32 v36;
	v0 =	vsub.f32 v0, v6;
	[tilespmem:$0x440] =	vst v45  }
0x26: {  	v60 =	vmul.f32 $9.999900000e+04, v48;
	v1 =	vsub.f32 v1, v8;
	[tilespmem:$0x450] =	vst v50  }
0x27: {  	v61 =	vcvt.s32.f32 v59;
	v7 =	vtrunc.f32 v51;
	v2 =	vsub.f32 v3, v39;
	[tilespmem:$0x200] =	vst v0  }
0x28: {  	v54 =	vcvt.f32.s32 v7;
	[tilespmem:$0x210] =	vst v1  }
0x29: {  	v42 =	vmul.f32 $9.999900000e+04, v5;
	v44 =	vcvt.s32.f32 v40;
	v62 =	vsub.f32 v60, v61;
	[tilespmem:$0x220] =	vst v2  }
0x2a: {  	[tilespmem:$0x460] =	vst v54  }
0x2b: {  	v3 =	vsub.f32 v42, v44;
	v0 =	vadd.s32 $0x1, v36;
	[tilespmem:$0x270] =	vst v62  }
0x2c: {  	v47 =	vmul.f32 $9.999900000e+04, v35;
	[tilespmem:$0x4A0] =	vst v0  }
0x2d: {  	v52 =	vmul.f32 $9.999900000e+04, v38;
	v49 =	vcvt.s32.f32 v45;
	v1 =	vadd.s32 $0x1, v40;
	[tilespmem:$0x230] =	vst v3  }
0x2e: {  	v56 =	vmul.f32 $9.999900000e+04, v43;
	v53 =	vcvt.s32.f32 v50;
	v2 =	vadd.s32 $0x1, v45;
	[tilespmem:$0x4B0] =	vst v1  }
0x2f: {  	v57 =	vcvt.s32.f32 v54;
	v0 =	vsub.f32 v47, v49;
	[tilespmem:$0x4C0] =	vst v2;
	v3 =	vadd.s32 $0x1, v50  }
0x30: {  	v1 =	vsub.f32 v52, v53;
	[tilespmem:$0x4D0] =	vst v3  }
0x31: {  	v2 =	vsub.f32 v56, v57;
	[tilespmem:$0x240] =	vst v0  }
0x32: {  	[tilespmem:$0x250] =	vst v1  }
0x33: {  	v0 =	vadd.s32 $0x1, v54;
	[tilespmem:$0x260] =	vst v2  }
0x34: {  	[tilespmem:$0x4E0] =	vst v0  }
0x35: {  	[tilespmem:s10], [sflag:$0x1] =	stream.indirect.gather [hbm4b:s3+s8], $0x80, s9, s8, $0xb8;
	[tilespmem:$0x14600] =	vst v63  }
0x36: {  	p1 =	por $0x1, $0x1;
	s24 =	simm.s32 $0x0  }
0x37: {  	[tilespmem:s12], [sflag:$0x1] =	stream.indirect.gather [hbm4b:s3+s8], $0x80, s11, s8, $0xb8;
	[tilespmem:$0x14600] =	vst v63  }
.LBB2_2:
0x38: {  	s22 =	sshllo.u32 s24, $0x1  }
0x39: {  	s23 =	sshll.u32 s22, $0x7  }
0x3a: {  	v0 =	vld [tilespmem:s23+$0x0];
	_ =	sdelay $0x4  }
0x3b: {  	v1 =	vmul.f32 $9.999800000e+04, v0;
	_ =	sdelay $0x1  }
0x3c: {  	v1 =	vtrunc.f32 v1  }
0x3d: {  	v1 =	vcvt.f32.s32 v1;
	_ =	sdelay $0x1  }
0x3e: {  	v0 =	vmul.f32 $9.999900000e+04, v0;
	v2 =	vcvt.s32.f32 v1;
	_ =	sdelay $0x1  }
0x3f: {  	v0 =	vsub.f32 v0, v2;
	_ =	sdelay $0x1  }
0x40: {  	[tilespmem:s23+$0x200] =	vst v0  }
0x41: {  	v0 =	vadd.s32 $0x1, v1;
	[tilespmem:$0x500] =	vst v1  }
0x42: {  	[tilespmem:$0x580] =	vst v0  }
0x43: {  	v0 =	vld [tilespmem:s23+$0x10];
	_ =	sdelay $0x4  }
0x44: {  	v1 =	vmul.f32 $9.999800000e+04, v0;
	_ =	sdelay $0x1  }
0x45: {  	v1 =	vtrunc.f32 v1  }
0x46: {  	v1 =	vcvt.f32.s32 v1;
	_ =	sdelay $0x1  }
0x47: {  	v0 =	vmul.f32 $9.999900000e+04, v0;
	v2 =	vcvt.s32.f32 v1;
	_ =	sdelay $0x1  }
0x48: {  	v0 =	vsub.f32 v0, v2;
	_ =	sdelay $0x1  }
0x49: {  	[tilespmem:s23+$0x210] =	vst v0  }
0x4a: {  	v0 =	vadd.s32 $0x1, v1;
	[tilespmem:$0x510] =	vst v1  }
0x4b: {  	[tilespmem:$0x590] =	vst v0  }
0x4c: {  	v0 =	vld [tilespmem:s23+$0x20];
	_ =	sdelay $0x4  }
0x4d: {  	v1 =	vmul.f32 $9.999800000e+04, v0;
	_ =	sdelay $0x1  }
0x4e: {  	v1 =	vtrunc.f32 v1  }
0x4f: {  	v1 =	vcvt.f32.s32 v1;
	_ =	sdelay $0x1  }
0x50: {  	v0 =	vmul.f32 $9.999900000e+04, v0;
	v2 =	vcvt.s32.f32 v1;
	_ =	sdelay $0x1  }
0x51: {  	v0 =	vsub.f32 v0, v2;
	_ =	sdelay $0x1  }
0x52: {  	[tilespmem:s23+$0x220] =	vst v0  }
0x53: {  	v0 =	vadd.s32 $0x1, v1;
	[tilespmem:$0x520] =	vst v1  }
0x54: {  	[tilespmem:$0x5A0] =	vst v0  }
0x55: {  	v0 =	vld [tilespmem:s23+$0x30];
	_ =	sdelay $0x4  }
0x56: {  	v1 =	vmul.f32 $9.999800000e+04, v0;
	_ =	sdelay $0x1  }
0x57: {  	v1 =	vtrunc.f32 v1  }
0x58: {  	v1 =	vcvt.f32.s32 v1;
	_ =	sdelay $0x1  }
0x59: {  	v0 =	vmul.f32 $9.999900000e+04, v0;
	v2 =	vcvt.s32.f32 v1;
	_ =	sdelay $0x1  }
0x5a: {  	v0 =	vsub.f32 v0, v2;
	_ =	sdelay $0x1  }
0x5b: {  	[tilespmem:s23+$0x230] =	vst v0  }
0x5c: {  	v0 =	vadd.s32 $0x1, v1;
	[tilespmem:$0x530] =	vst v1  }
0x5d: {  	[tilespmem:$0x5B0] =	vst v0  }
0x5e: {  	v0 =	vld [tilespmem:s23+$0x40];
	_ =	sdelay $0x4  }
0x5f: {  	v1 =	vmul.f32 $9.999800000e+04, v0;
	_ =	sdelay $0x1  }
0x60: {  	v1 =	vtrunc.f32 v1  }
0x61: {  	v1 =	vcvt.f32.s32 v1;
	_ =	sdelay $0x1  }
0x62: {  	v0 =	vmul.f32 $9.999900000e+04, v0;
	v2 =	vcvt.s32.f32 v1;
	_ =	sdelay $0x1  }
0x63: {  	v0 =	vsub.f32 v0, v2;
	_ =	sdelay $0x1  }
0x64: {  	[tilespmem:s23+$0x240] =	vst v0  }
0x65: {  	v0 =	vadd.s32 $0x1, v1;
	[tilespmem:$0x540] =	vst v1  }
0x66: {  	[tilespmem:$0x5C0] =	vst v0  }
0x67: {  	v0 =	vld [tilespmem:s23+$0x50];
	_ =	sdelay $0x4  }
0x68: {  	v1 =	vmul.f32 $9.999800000e+04, v0;
	_ =	sdelay $0x1  }
0x69: {  	v1 =	vtrunc.f32 v1  }
0x6a: {  	v1 =	vcvt.f32.s32 v1;
	_ =	sdelay $0x1  }
0x6b: {  	v0 =	vmul.f32 $9.999900000e+04, v0;
	v2 =	vcvt.s32.f32 v1;
	_ =	sdelay $0x1  }
0x6c: {  	v0 =	vsub.f32 v0, v2;
	_ =	sdelay $0x1  }
0x6d: {  	[tilespmem:s23+$0x250] =	vst v0  }
0x6e: {  	v0 =	vadd.s32 $0x1, v1;
	[tilespmem:$0x550] =	vst v1  }
0x6f: {  	[tilespmem:$0x5D0] =	vst v0  }
0x70: {  	v0 =	vld [tilespmem:s23+$0x60];
	_ =	sdelay $0x4  }
0x71: {  	v1 =	vmul.f32 $9.999800000e+04, v0;
	_ =	sdelay $0x1  }
0x72: {  	v1 =	vtrunc.f32 v1  }
0x73: {  	v1 =	vcvt.f32.s32 v1;
	_ =	sdelay $0x1  }
0x74: {  	v0 =	vmul.f32 $9.999900000e+04, v0;
	v2 =	vcvt.s32.f32 v1;
	_ =	sdelay $0x1  }
0x75: {  	v0 =	vsub.f32 v0, v2;
	_ =	sdelay $0x1  }
0x76: {  	[tilespmem:s23+$0x260] =	vst v0  }
0x77: {  	v0 =	vadd.s32 $0x1, v1;
	[tilespmem:$0x560] =	vst v1  }
0x78: {  	[tilespmem:$0x5E0] =	vst v0  }
0x79: {  	v0 =	vld [tilespmem:s23+$0x70];
	_ =	sdelay $0x4  }
0x7a: {  	v1 =	vmul.f32 $9.999800000e+04, v0;
	_ =	sdelay $0x1  }
0x7b: {  	v1 =	vtrunc.f32 v1  }
0x7c: {  	v1 =	vcvt.f32.s32 v1;
	_ =	sdelay $0x1  }
0x7d: {  	v0 =	vmul.f32 $9.999900000e+04, v0;
	v2 =	vcvt.s32.f32 v1;
	_ =	sdelay $0x1  }
0x7e: {  	v0 =	vsub.f32 v0, v2;
	_ =	sdelay $0x1  }
0x7f: {  	[tilespmem:s23+$0x270] =	vst v0  }
0x80: {  	v0 =	vadd.s32 $0x1, v1;
	[tilespmem:$0x570] =	vst v1  }
0x81: {  	[tilespmem:$0x5F0] =	vst v0  }
0x82: {  	[tilespmem:s14], [sflag:$0x2] =	stream.indirect.gather [hbm4b:s3+s8], $0x80, s13, s8, $0xb8;
	[tilespmem:$0x14600] =	vst v63  }
0x83: {  	_ = 	snop  }
0x84: {  	[tilespmem:s16], [sflag:$0x2] =	stream.indirect.gather [hbm4b:s3+s8], $0x80, s15, s8, $0xb8;
	[tilespmem:$0x14600] =	vst v63  }
0x85: {  	_ =	swait.ge [sflag:s17], $0x4000  }
0x86: {  	[sflag:s17] =	ssyncset.done $0x0  }
0x87: {  	[sflag:s17] =	ssyncadd.s32 $0xFFFFC000  }
0x88: {  	_ =	swait.ge [sflag:s17], $0x4000  }
0x89: {  	[sflag:s17] =	ssyncset.done $0x0  }
0x8a: {  	s25 =	simm.s32 $0x0;
	[sflag:s17] =	ssyncadd.s32 $0xFFFFC000  }
0x8b: {  	s28 =	sshll.u32 s24, $0x8;
	v0 =	vld [tilespmem:s25+$0x600]  }
0x8c: {  	v2 =	vmov s28;
	v1 =	vld [tilespmem:s25+$0x4600]  }
0x8d: {  	v3 =	vld [tilespmem:s25+$0x610]  }
0x8e: {  	v4 =	vld [tilespmem:s25+$0x4610]  }
0x8f: {  	v5 =	vld [tilespmem:s25+$0x620]  }
0x90: {  	v6 =	vld [tilespmem:s25+$0x4620]  }
0x91: {  	v7 =	vld.idx.msk [tilespmem:v2+s18+$0x0], $0xffff  }
0x92: {  	v2 =	vld [tilespmem:s25+$0x630]  }
0x93: {  	v8 =	vld [tilespmem:s25+$0x4630]  }
0x94: {  	v9 =	vld [tilespmem:s25+$0x4640]  }
0x95: {  	v15 =	vld [tilespmem:s25+$0x4660]  }
0x96: {  	v10 =	vld [tilespmem:s25+$0x640]  }
0x97: {  	v11 =	vld [tilespmem:s25+$0x650]  }
0x98: {  	v14 =	vld [tilespmem:s25+$0x660];
	v12 =	vsub.f32 $1.000000000e+00, v7  }
0x99: {  	v13 =	vld [tilespmem:s25+$0x4650];
	v1 =	vmul.f32 v1, v7;
	v4 =	vmul.f32 v4, v7  }
0x9a: {  	v16 =	vld [tilespmem:s25+$0x670];
	v63 =	vmul.f32 v15, v7;
	v0 =	vmul.f32 v0, v12  }
0x9b: {  	v17 =	vld [tilespmem:s25+$0x4670];
	v3 =	vmul.f32 v3, v12;
	v5 =	vmul.f32 v5, v12  }
0x9c: {  	v2 =	vmul.f32 v2, v12;
	v0 =	vadd.f32 v1, v0;
	v1 =	vmul.f32 v6, v7  }
0x9d: {  	v62 =	vmul.f32 v14, v12;
	v3 =	vadd.f32 v4, v3;
	v4 =	vmul.f32 v8, v7  }
0x9e: {  	s26 =	simm.s32 $0x80;
	v6 =	vmul.f32 v9, v7;
	v8 =	vmul.f32 v10, v12;
	[tilespmem:s25+$0x10600] =	vst v0;
	v5 =	vadd.f32 v1, v5  }
0x9f: {  	v9 =	vmul.f32 v11, v12;
	v10 =	vmul.f32 v13, v7;
	v11 =	vadd.f32 v4, v2;
	v0 =	vld [tilespmem:s26+$0x600];
	[tilespmem:s25+$0x10610] =	vst v3  }
0xa0: {  	s28 =	sadd.s32 $0x1, s28;
	v7 =	vmul.f32 v17, v7;
	v3 =	vadd.f32 v6, v8;
	v6 =	vmul.f32 v16, v12;
	v1 =	vld [tilespmem:s26+$0x4600];
	[tilespmem:s25+$0x10620] =	vst v5  }
0xa1: {  	p0 =	por p1, p1;
	s29 =	simm.s32 $0x400;
	v4 =	vmov s28;
	v8 =	vadd.f32 v63, v62;
	v5 =	vadd.f32 v10, v9;
	v2 =	vld [tilespmem:s26+$0x610];
	[tilespmem:s25+$0x10630] =	vst v11  }
.LBB2_3:
0xa2: {  	p1 =	sne.s32 s29, $0xFE00;
	v9 =	vld [tilespmem:s26+$0x4610];
	[tilespmem:s25+$0x10640] =	vst v3;
	v3 =	vadd.f32 v7, v6  }
0xa3: {  	v6 =	vld [tilespmem:s26+$0x620];
	[tilespmem:s25+$0x10650] =	vst v5  }
0xa4: {  	v5 =	vld [tilespmem:s26+$0x4620];
	[tilespmem:s25+$0x10660] =	vst v8  }
0xa5: {  	v7 =	vld [tilespmem:s26+$0x630];
	[tilespmem:s25+$0x10670] =	vst v3;
	s25 =	smov.u32 s26  }
0xa6: {  	v4 =	vld.idx.msk [tilespmem:v4+s18+$0x0], $0xffff  }
0xa7: {  	v3 =	vld [tilespmem:s25+$0x4630]  }
0xa8: {  	v8 =	vld [tilespmem:s25+$0x4640]  }
0xa9: {  	v10 =	vld [tilespmem:s25+$0x640]  }
0xaa: {  	v11 =	vld [tilespmem:s25+$0x650]  }
0xab: {  	v12 =	vld [tilespmem:s25+$0x4650]  }
0xac: {  	v13 =	vsub.f32 $1.000000000e+00, v4;
	v9 =	vmul.f32 v9, v4;
	v5 =	vmul.f32 v5, v4;
	v14 =	vld [tilespmem:s25+$0x660]  }
0xad: {  	v3 =	vmul.f32 v3, v4;
	v8 =	vmul.f32 v8, v4;
	v15 =	vld [tilespmem:s25+$0x4660]  }
0xae: {  	v1 =	vmul.f32 v1, v4;
	v0 =	vmul.f32 v0, v13;
	v16 =	vld [tilespmem:s25+$0x670]  }
0xaf: {  	v2 =	vmul.f32 v2, v13;
	v6 =	vmul.f32 v6, v13;
	v17 =	vld [tilespmem:s25+$0x4670]  }
0xb0: {  	v0 =	vadd.f32 v1, v0;
	v1 =	vmul.f32 v7, v13;
	v7 =	vmul.f32 v10, v13  }
.Ltmp0:
0xb1: {  	v2 =	vadd.f32 v9, v2;
	v5 =	vadd.f32 v5, v6;
	v6 =	vmul.f32 v11, v13;
	(pc) =	sbr.rel @p1 .LBB2_3-.Ltmp0, $4  }
0xb2: {  	s26 =	sshra.s32 s29, $0x2;
	v9 =	vadd.f32 v3, v1;
	v3 =	vadd.f32 v8, v7;
	v7 =	vmul.f32 v12, v4;
	[tilespmem:s25+$0x10600] =	vst v0  }
0xb3: {  	v8 =	vmul.f32 v14, v13;
	v10 =	vmul.f32 v15, v4;
	v0 =	vld [tilespmem:s26+$0x600];
	[tilespmem:s25+$0x10610] =	vst v2  }
0xb4: {  	s28 =	sadd.s32 $0x1, s28;
	v1 =	vld [tilespmem:s26+$0x4600];
	[tilespmem:s25+$0x10620] =	vst v5;
	v5 =	vadd.f32 v7, v6;
	v6 =	vmul.f32 v16, v13;
	v7 =	vmul.f32 v17, v4  }
0xb5: {  	s29 =	sadd.s32 $0x200, s29;
	v4 =	vmov s28;
	v8 =	vadd.f32 v10, v8;
	v2 =	vld [tilespmem:s26+$0x610];
	[tilespmem:s25+$0x10630] =	vst v9  }
0xb6: {  	v9 =	vld [tilespmem:s26+$0x4610];
	[tilespmem:s25+$0x10640] =	vst v3  }
0xb7: {  	v6 =	vadd.f32 v7, v6;
	v3 =	vld [tilespmem:s26+$0x620];
	[tilespmem:s25+$0x10650] =	vst v5  }
0xb8: {  	v5 =	vld [tilespmem:s26+$0x4620];
	[tilespmem:s25+$0x10660] =	vst v8  }
0xb9: {  	v51 =	vld [tilespmem:s26+$0x630];
	[tilespmem:s25+$0x10670] =	vst v6  }
0xba: {  	v4 =	vld.idx.msk [tilespmem:v4+s18+$0x0], $0xffff  }
0xbb: {  	v6 =	vld [tilespmem:s26+$0x4630]  }
0xbc: {  	v8 =	vld [tilespmem:s26+$0x4640]  }
0xbd: {  	v10 =	vld [tilespmem:s26+$0x640]  }
0xbe: {  	v12 =	vld [tilespmem:s26+$0x4650]  }
0xbf: {  	v14 =	vld [tilespmem:s26+$0x660];
	v13 =	vsub.f32 $1.000000000e+00, v4  }
0xc0: {  	v15 =	vld [tilespmem:s26+$0x4660];
	v1 =	vmul.f32 v1, v4  }
0xc1: {  	v16 =	vld [tilespmem:s26+$0x670];
	v9 =	vmul.f32 v9, v4;
	v0 =	vmul.f32 v0, v13  }
0xc2: {  	v17 =	vld [tilespmem:s26+$0x4670];
	v5 =	vmul.f32 v5, v4;
	v2 =	vmul.f32 v2, v13  }
0xc3: {  	v11 =	vld [tilespmem:s26+$0x650];
	v52 =	vmul.f32 v6, v4;
	v3 =	vmul.f32 v3, v13;
	v0 =	vadd.f32 v1, v0  }
0xc4: {  	v54 =	vmul.f32 v8, v4;
	v53 =	vmul.f32 v51, v13;
	v2 =	vadd.f32 v9, v2  }
0xc5: {  	v57 =	vmul.f32 v12, v4;
	v55 =	vmul.f32 v10, v13;
	v3 =	vadd.f32 v5, v3;
	[tilespmem:s26+$0x10600] =	vst v0  }
0xc6: {  	v60 =	vmul.f32 v15, v4;
	v59 =	vmul.f32 v14, v13;
	v1 =	vadd.f32 v52, v53;
	[tilespmem:s26+$0x10610] =	vst v2  }
0xc7: {  	v4 =	vmul.f32 v17, v4;
	v61 =	vmul.f32 v16, v13;
	v58 =	vadd.f32 v54, v55;
	[tilespmem:s26+$0x10620] =	vst v3  }
0xc8: {  	v56 =	vmul.f32 v11, v13;
	v62 =	vadd.f32 v60, v59;
	[tilespmem:s26+$0x10630] =	vst v1  }
0xc9: {  	v63 =	vadd.f32 v4, v61;
	[tilespmem:s26+$0x10640] =	vst v58  }
0xca: {  	v0 =	vadd.f32 v57, v56;
	[tilespmem:s26+$0x10660] =	vst v62  }
0xcb: {  	s24 =	sshll.u32 s24, $0xC;
	[tilespmem:s26+$0x10670] =	vst v63  }
.Ltmp1:
0xcc: {  	s24 =	sadd.s32 s24, s5;
	[tilespmem:s26+$0x10650] =	vst v0;
	(pc) =	sbr.rel @!p0 .LBB2_6-.Ltmp1, $4  }
0xcd: {  	[hbm4b:s24+s2] =	stream.linear.scatter [tilespmem:s19], [sflag:$0x3], $0x4000, $0x38;
	[tilespmem:$0x14600] =	vst v63  }
0xce: {  	_ =	swait.ge [sflag:s7], $0x4000  }
0xcf: {  	[sflag:s7] =	ssyncset.done $0x0  }
0xd0: {  	[sflag:s7] =	ssyncadd.s32 $0xFFFFC000  }
0xd1: {  	v0 =	vld [tilespmem:$0x100]  }
0xd2: {  	v1 =	vld [tilespmem:$0x110]  }
0xd3: {  	v3 =	vld [tilespmem:$0x120]  }
0xd4: {  	v48 =	vld [tilespmem:$0x170];
	_ =	sdelay $0x2  }
0xd5: {  	v5 =	vld [tilespmem:$0x130];
	v2 =	vmul.f32 $9.999800000e+04, v0;
	v4 =	vmul.f32 $9.999800000e+04, v1  }
0xd6: {  	v35 =	vld [tilespmem:$0x140];
	v0 =	vmul.f32 $9.999900000e+04, v0;
	v7 =	vmul.f32 $9.999800000e+04, v3  }
0xd7: {  	v38 =	vld [tilespmem:$0x150];
	v55 =	vmul.f32 $9.999800000e+04, v48;
	v2 =	vtrunc.f32 v2  }
0xd8: {  	v4 =	vtrunc.f32 v4;
	v2 =	vcvt.f32.s32 v2  }
0xd9: {  	v7 =	vtrunc.f32 v7;
	v4 =	vcvt.f32.s32 v4  }
0xda: {  	v58 =	vtrunc.f32 v55;
	v36 =	vcvt.f32.s32 v7;
	[tilespmem:$0x400] =	vst v2  }
0xdb: {  	v37 =	vmul.f32 $9.999800000e+04, v5;
	v59 =	vcvt.f32.s32 v58;
	[tilespmem:$0x410] =	vst v4  }
0xdc: {  	v41 =	vmul.f32 $9.999800000e+04, v35;
	v46 =	vmul.f32 $9.999800000e+04, v38;
	[tilespmem:$0x420] =	vst v36  }
0xdd: {  	v43 =	vld [tilespmem:$0x160];
	v7 =	vtrunc.f32 v37;
	v6 =	vcvt.s32.f32 v2;
	v2 =	vadd.s32 $0x1, v2;
	[tilespmem:$0x470] =	vst v59  }
0xde: {  	v40 =	vcvt.f32.s32 v7;
	v8 =	vcvt.s32.f32 v4;
	v4 =	vadd.s32 $0x1, v4;
	[tilespmem:$0x480] =	vst v2  }
0xdf: {  	v1 =	vmul.f32 $9.999900000e+04, v1;
	v7 =	vtrunc.f32 v41;
	[tilespmem:$0x490] =	vst v4  }
0xe0: {  	v45 =	vcvt.f32.s32 v7;
	v7 =	vtrunc.f32 v46;
	v63 =	vadd.s32 $0x1, v59;
	[tilespmem:$0x430] =	vst v40  }
0xe1: {  	v3 =	vmul.f32 $9.999900000e+04, v3;
	v50 =	vcvt.f32.s32 v7;
	[tilespmem:$0x4F0] =	vst v63  }
0xe2: {  	v51 =	vmul.f32 $9.999800000e+04, v43;
	v39 =	vcvt.s32.f32 v36;
	v0 =	vsub.f32 v0, v6;
	[tilespmem:$0x440] =	vst v45  }
0xe3: {  	v60 =	vmul.f32 $9.999900000e+04, v48;
	v1 =	vsub.f32 v1, v8;
	[tilespmem:$0x450] =	vst v50  }
0xe4: {  	v61 =	vcvt.s32.f32 v59;
	v7 =	vtrunc.f32 v51;
	v2 =	vsub.f32 v3, v39;
	[tilespmem:$0x300] =	vst v0  }
0xe5: {  	v54 =	vcvt.f32.s32 v7;
	[tilespmem:$0x310] =	vst v1  }
0xe6: {  	v42 =	vmul.f32 $9.999900000e+04, v5;
	v44 =	vcvt.s32.f32 v40;
	v62 =	vsub.f32 v60, v61;
	[tilespmem:$0x320] =	vst v2  }
0xe7: {  	[tilespmem:$0x460] =	vst v54  }
0xe8: {  	v3 =	vsub.f32 v42, v44;
	v0 =	vadd.s32 $0x1, v36;
	[tilespmem:$0x370] =	vst v62  }
0xe9: {  	v47 =	vmul.f32 $9.999900000e+04, v35;
	[tilespmem:$0x4A0] =	vst v0  }
0xea: {  	v52 =	vmul.f32 $9.999900000e+04, v38;
	v49 =	vcvt.s32.f32 v45;
	v1 =	vadd.s32 $0x1, v40;
	[tilespmem:$0x330] =	vst v3  }
0xeb: {  	v56 =	vmul.f32 $9.999900000e+04, v43;
	v53 =	vcvt.s32.f32 v50;
	v2 =	vadd.s32 $0x1, v45;
	[tilespmem:$0x4B0] =	vst v1  }
0xec: {  	v57 =	vcvt.s32.f32 v54;
	v0 =	vsub.f32 v47, v49;
	[tilespmem:$0x4C0] =	vst v2;
	v3 =	vadd.s32 $0x1, v50  }
0xed: {  	v1 =	vsub.f32 v52, v53;
	[tilespmem:$0x4D0] =	vst v3  }
0xee: {  	v2 =	vsub.f32 v56, v57;
	[tilespmem:$0x340] =	vst v0  }
0xef: {  	[tilespmem:$0x350] =	vst v1  }
0xf0: {  	v0 =	vadd.s32 $0x1, v54;
	[tilespmem:$0x360] =	vst v2  }
0xf1: {  	[tilespmem:$0x4E0] =	vst v0  }
0xf2: {  	[tilespmem:s10], [sflag:$0x1] =	stream.indirect.gather [hbm4b:s3+s8], $0x80, s9, s8, $0xb8;
	[tilespmem:$0x14600] =	vst v63  }
0xf3: {  	_ = 	snop  }
0xf4: {  	[tilespmem:s12], [sflag:$0x1] =	stream.indirect.gather [hbm4b:s3+s8], $0x80, s11, s8, $0xb8;
	[tilespmem:$0x14600] =	vst v63  }
.LBB2_6:
0xf5: {  	_ =	swait.ge [sflag:s20], $0x4000  }
0xf6: {  	[sflag:s20] =	ssyncset.done $0x0  }
0xf7: {  	[sflag:s20] =	ssyncadd.s32 $0xFFFFC000  }
0xf8: {  	_ =	swait.ge [sflag:s20], $0x4000  }
0xf9: {  	[sflag:s20] =	ssyncset.done $0x0  }
0xfa: {  	s24 =	simm.s32 $0x0;
	[sflag:s20] =	ssyncadd.s32 $0xFFFFC000  }
0xfb: {  	v0 =	vld [tilespmem:s24+$0x8600]  }
0xfc: {  	v2 =	vmov s23;
	v1 =	vld [tilespmem:s24+$0xC600]  }
0xfd: {  	v3 =	vld [tilespmem:s24+$0x8610]  }
0xfe: {  	v4 =	vld [tilespmem:s24+$0xC610]  }
0xff: {  	v5 =	vld [tilespmem:s24+$0x8620]  }
0x100: {  	v6 =	vld [tilespmem:s24+$0xC620]  }
0x101: {  	v7 =	vld.idx.msk [tilespmem:v2+s18+$0x0], $0xffff  }
0x102: {  	v2 =	vld [tilespmem:s24+$0x8630]  }
0x103: {  	v8 =	vld [tilespmem:s24+$0xC630]  }
0x104: {  	v9 =	vld [tilespmem:s24+$0xC640]  }
0x105: {  	v15 =	vld [tilespmem:s24+$0xC660]  }
0x106: {  	v10 =	vld [tilespmem:s24+$0x8640]  }
0x107: {  	v11 =	vld [tilespmem:s24+$0x8650]  }
0x108: {  	v14 =	vld [tilespmem:s24+$0x8660];
	v12 =	vsub.f32 $1.000000000e+00, v7  }
0x109: {  	v13 =	vld [tilespmem:s24+$0xC650];
	v1 =	vmul.f32 v1, v7;
	v4 =	vmul.f32 v4, v7  }
0x10a: {  	v16 =	vld [tilespmem:s24+$0x8670];
	v63 =	vmul.f32 v15, v7;
	v0 =	vmul.f32 v0, v12  }
0x10b: {  	v17 =	vld [tilespmem:s24+$0xC670];
	v3 =	vmul.f32 v3, v12;
	v5 =	vmul.f32 v5, v12  }
0x10c: {  	v2 =	vmul.f32 v2, v12;
	v0 =	vadd.f32 v1, v0;
	v1 =	vmul.f32 v6, v7  }
0x10d: {  	v62 =	vmul.f32 v14, v12;
	v3 =	vadd.f32 v4, v3;
	v4 =	vmul.f32 v8, v7  }
0x10e: {  	s25 =	simm.s32 $0x80;
	v6 =	vmul.f32 v9, v7;
	v8 =	vmul.f32 v10, v12;
	[tilespmem:s24+$0x10600] =	vst v0;
	v5 =	vadd.f32 v1, v5  }
0x10f: {  	v9 =	vmul.f32 v11, v12;
	v10 =	vmul.f32 v13, v7;
	v11 =	vadd.f32 v4, v2;
	v0 =	vld [tilespmem:s25+$0x8600];
	[tilespmem:s24+$0x10610] =	vst v3  }
0x110: {  	s23 =	sadd.s32 $0x1, s23;
	v7 =	vmul.f32 v17, v7;
	v3 =	vadd.f32 v6, v8;
	v6 =	vmul.f32 v16, v12;
	v1 =	vld [tilespmem:s25+$0xC600];
	[tilespmem:s24+$0x10620] =	vst v5  }
0x111: {  	s26 =	simm.s32 $0x400;
	v4 =	vmov s23;
	v8 =	vadd.f32 v63, v62;
	v5 =	vadd.f32 v10, v9;
	v2 =	vld [tilespmem:s25+$0x8610];
	[tilespmem:s24+$0x10630] =	vst v11  }
.LBB2_7:
0x112: {  	p1 =	sne.s32 s26, $0xFE00;
	v9 =	vld [tilespmem:s25+$0xC610];
	[tilespmem:s24+$0x10640] =	vst v3;
	v3 =	vadd.f32 v7, v6  }
0x113: {  	v6 =	vld [tilespmem:s25+$0x8620];
	[tilespmem:s24+$0x10650] =	vst v5  }
0x114: {  	v5 =	vld [tilespmem:s25+$0xC620];
	[tilespmem:s24+$0x10660] =	vst v8  }
0x115: {  	v7 =	vld [tilespmem:s25+$0x8630];
	[tilespmem:s24+$0x10670] =	vst v3;
	s24 =	smov.u32 s25  }
0x116: {  	v4 =	vld.idx.msk [tilespmem:v4+s18+$0x0], $0xffff  }
0x117: {  	v3 =	vld [tilespmem:s24+$0xC630]  }
0x118: {  	v8 =	vld [tilespmem:s24+$0xC640]  }
0x119: {  	v10 =	vld [tilespmem:s24+$0x8640]  }
0x11a: {  	v11 =	vld [tilespmem:s24+$0x8650]  }
0x11b: {  	v12 =	vld [tilespmem:s24+$0xC650]  }
0x11c: {  	v13 =	vsub.f32 $1.000000000e+00, v4;
	v9 =	vmul.f32 v9, v4;
	v5 =	vmul.f32 v5, v4;
	v14 =	vld [tilespmem:s24+$0x8660]  }
0x11d: {  	v3 =	vmul.f32 v3, v4;
	v8 =	vmul.f32 v8, v4;
	v15 =	vld [tilespmem:s24+$0xC660]  }
0x11e: {  	v1 =	vmul.f32 v1, v4;
	v0 =	vmul.f32 v0, v13;
	v16 =	vld [tilespmem:s24+$0x8670]  }
0x11f: {  	v2 =	vmul.f32 v2, v13;
	v6 =	vmul.f32 v6, v13;
	v17 =	vld [tilespmem:s24+$0xC670]  }
0x120: {  	v0 =	vadd.f32 v1, v0;
	v1 =	vmul.f32 v7, v13;
	v7 =	vmul.f32 v10, v13  }
.Ltmp2:
0x121: {  	v2 =	vadd.f32 v9, v2;
	v5 =	vadd.f32 v5, v6;
	v6 =	vmul.f32 v11, v13;
	(pc) =	sbr.rel @p1 .LBB2_7-.Ltmp2, $4  }
0x122: {  	s25 =	sshra.s32 s26, $0x2;
	v9 =	vadd.f32 v3, v1;
	v3 =	vadd.f32 v8, v7;
	v7 =	vmul.f32 v12, v4;
	[tilespmem:s24+$0x10600] =	vst v0  }
0x123: {  	v8 =	vmul.f32 v14, v13;
	v10 =	vmul.f32 v15, v4;
	v0 =	vld [tilespmem:s25+$0x8600];
	[tilespmem:s24+$0x10610] =	vst v2  }
0x124: {  	s23 =	sadd.s32 $0x1, s23;
	v1 =	vld [tilespmem:s25+$0xC600];
	[tilespmem:s24+$0x10620] =	vst v5;
	v5 =	vadd.f32 v7, v6;
	v6 =	vmul.f32 v16, v13;
	v7 =	vmul.f32 v17, v4  }
0x125: {  	s26 =	sadd.s32 $0x200, s26;
	v4 =	vmov s23;
	v8 =	vadd.f32 v10, v8;
	v2 =	vld [tilespmem:s25+$0x8610];
	[tilespmem:s24+$0x10630] =	vst v9  }
0x126: {  	v9 =	vld [tilespmem:s25+$0xC610];
	[tilespmem:s24+$0x10640] =	vst v3  }
0x127: {  	v6 =	vadd.f32 v7, v6;
	v3 =	vld [tilespmem:s25+$0x8620];
	[tilespmem:s24+$0x10650] =	vst v5  }
0x128: {  	v5 =	vld [tilespmem:s25+$0xC620];
	[tilespmem:s24+$0x10660] =	vst v8  }
0x129: {  	v51 =	vld [tilespmem:s25+$0x8630];
	[tilespmem:s24+$0x10670] =	vst v6  }
0x12a: {  	v4 =	vld.idx.msk [tilespmem:v4+s18+$0x0], $0xffff  }
0x12b: {  	v6 =	vld [tilespmem:s25+$0xC630]  }
0x12c: {  	v8 =	vld [tilespmem:s25+$0xC640]  }
0x12d: {  	v10 =	vld [tilespmem:s25+$0x8640]  }
0x12e: {  	v12 =	vld [tilespmem:s25+$0xC650]  }
0x12f: {  	v14 =	vld [tilespmem:s25+$0x8660];
	v13 =	vsub.f32 $1.000000000e+00, v4  }
0x130: {  	v15 =	vld [tilespmem:s25+$0xC660];
	v1 =	vmul.f32 v1, v4  }
0x131: {  	v16 =	vld [tilespmem:s25+$0x8670];
	v9 =	vmul.f32 v9, v4;
	v0 =	vmul.f32 v0, v13  }
0x132: {  	v17 =	vld [tilespmem:s25+$0xC670];
	v5 =	vmul.f32 v5, v4;
	v2 =	vmul.f32 v2, v13  }
0x133: {  	v11 =	vld [tilespmem:s25+$0x8650];
	v52 =	vmul.f32 v6, v4;
	v3 =	vmul.f32 v3, v13;
	v0 =	vadd.f32 v1, v0  }
0x134: {  	v54 =	vmul.f32 v8, v4;
	v53 =	vmul.f32 v51, v13;
	v2 =	vadd.f32 v9, v2  }
0x135: {  	v57 =	vmul.f32 v12, v4;
	v55 =	vmul.f32 v10, v13;
	v3 =	vadd.f32 v5, v3;
	[tilespmem:s25+$0x10600] =	vst v0  }
0x136: {  	v60 =	vmul.f32 v15, v4;
	v59 =	vmul.f32 v14, v13;
	v1 =	vadd.f32 v52, v53;
	[tilespmem:s25+$0x10610] =	vst v2  }
0x137: {  	v4 =	vmul.f32 v17, v4;
	v61 =	vmul.f32 v16, v13;
	v58 =	vadd.f32 v54, v55;
	[tilespmem:s25+$0x10620] =	vst v3  }
0x138: {  	v56 =	vmul.f32 v11, v13;
	v62 =	vadd.f32 v60, v59;
	[tilespmem:s25+$0x10630] =	vst v1  }
0x139: {  	v63 =	vadd.f32 v4, v61;
	[tilespmem:s25+$0x10640] =	vst v58  }
0x13a: {  	v0 =	vadd.f32 v57, v56;
	[tilespmem:s25+$0x10660] =	vst v62  }
0x13b: {  	s22 =	sshll.u32 s22, $0xB;
	[tilespmem:s25+$0x10670] =	vst v63  }
.Ltmp3:
0x13c: {  	s22 =	sadd.s32 s22, s5;
	[tilespmem:s25+$0x10650] =	vst v0;
	(pc) =	sbr.rel @p0 .LBB2_2-.Ltmp3, $4  }
0x13d: {  	[hbm4b:s22+s2] =	stream.linear.scatter [tilespmem:s19], [sflag:$0x3], $0x4000, $0x38;
	[tilespmem:$0x14600] =	vst v63  }
0x13e: {  	_ =	swait.ge [sflag:s7], $0x4000  }
0x13f: {  	[sflag:s7] =	ssyncset.done $0x0  }
0x140: {  	p1 =	por $0x0, $0x0;
	s24 =	simm.s32 $0x1;
	[sflag:s7] =	ssyncadd.s32 $0xFFFFC000  }
0x141: {  	s21 =	sadd.s32 $0x1, s21  }
0x142: {  	p0 =	sne.s32 s21, s6  }
.Ltmp4:
0x143: {  	_ = 	snop;
	(pc) =	sbr.rel @p0 .LBB2_1-.Ltmp4, $1  }
0x144: {  	_ =	sdelay $0x3  }
0x145: {  	_ =	sfence.sel $0x180000  }
0x146: {  	[bflag:$0x0] =	sbarrier.arrive $0xFFFF  }
0x147: {  	p0 =	sne.s32 s1, $0x0;
	_ =	strace $0x90000047  }
0x148: {  	s0 =	sadd.s32 @!p0 $0x100000, s0;
	[bflag:$0x2] =	sbarrier.arrive $0xFFFF  }
0x149: {  	[sflag:s0] =	ssyncadd.tile.s32 @!p0 $0x1;
	_ =	shalt  }
.Lfunc_end2:
_tile_overlayer_lowered:
.L_overlay_start_2:
0x14a: {  	(tag) =	ssettag $0x2  }
0x14b: {  	s0 =	rddreg [dreg:$0x0];
	s2 =	stileid.u32  }
0x14c: {  	s1 =	rddreg [dreg:$0x1];
	p0 =	sne.s32 s2, $0x0  }
0x14d: {  	s3 =	rddreg [dreg:$0x2];
	[bflag:$0x3] =	sbarrier.arrive $0xFFFF;
	s2 =	simm.s32 @!p0 $0x1C03  }
0x14e: {  	[timem:s3], [sflag:s2] =	dma.local @!p0 [hbm:s0], s1  }
0x14f: {  	s0 =	simm.s32 @!p0 $0x3  }
0x150: {  	_ =	swait.ge @!p0 [sflag:s0], s1  }
0x151: {  	s1 =	ssub.s32 @!p0 $0x0, s1;
	[sflag:s0] =	ssyncset.done @!p0 $0x0  }
0x152: {  	[sflag:s0] =	ssyncadd.s32 @!p0 s1  }
0x153: {  	[bflag:$0x3] =	sbarrier.arrive $0xFFFF  }
0x154: {  	_ =	shalt  }

</sc_bundles>
